<compile_context>
chip_gen: v7x
topology: tpu7x:2x2x1
jax: 0.10.2.dev20260603
libtpu: 0.0.44.dev20260713+nightly
codegen_flags: <defaults>
</compile_context>

<pallas_src>
import functools

import jax
import jax.numpy as jnp
from jax import lax
from jax.experimental import pallas as pl
from jax.experimental.pallas import tpu as pltpu
from jax.experimental.pallas import tpu_sc as plsc

N_NODES = 10000
D_FEAT = 128
N_EDGES = 320000

_NC = 2
_NS = 16
_NW = _NC * _NS
_EPW = N_EDGES // _NW
_B = 80
_CHUNKS = _EPW // _B
_L = 16
_NBUF = 6
_AA = 3

_mesh = plsc.VectorSubcoreMesh(core_axis_name="c", subcore_axis_name="s")


def _norms_tc(z_ref, o_ref):
    zz = z_ref[...]
    o_ref[...] = jnp.sum(zz * zz, axis=1)


def _make_norms(z):
    return pl.pallas_call(
        _norms_tc,
        out_shape=jax.ShapeDtypeStruct((N_NODES,), jnp.float32),
    )(z)


@functools.partial(
    pl.kernel,
    out_type=jax.ShapeDtypeStruct((N_EDGES,), jnp.float32),
    mesh=_mesh,
    scratch_types=[
        pltpu.VMEM((_CHUNKS, _B), jnp.int32),
        pltpu.VMEM((_CHUNKS, _B), jnp.int32),
        pltpu.VMEM((_NBUF, _B, D_FEAT), jnp.float32),
        pltpu.VMEM((N_NODES,), jnp.float32),
        pltpu.VMEM((_EPW,), jnp.float32),
        pltpu.SemaphoreType.DMA((_NBUF,)),
        pltpu.SemaphoreType.DMA((_NBUF,)),
    ],
    compiler_params=pltpu.CompilerParams(needs_layout_passes=False),
)
def _gae_sc(z_hbm, src_hbm, dst_hbm, norm_hbm, out_hbm,
            src_v, dst_v, rows_s, norm_v, out_v, semr, sema):
    wid = lax.axis_index("s") * _NC + lax.axis_index("c")

    pltpu.sync_copy(src_hbm.at[wid], src_v)
    pltpu.sync_copy(dst_hbm.at[wid], dst_v)
    pltpu.sync_copy(norm_hbm, norm_v)

    lane = lax.iota(jnp.int32, _L)

    def _start_rows(c):
        b = c % _NBUF
        pltpu.async_copy(z_hbm.at[src_v.at[c]], rows_s.at[b], semr.at[b])

    def _wait_rows(c):
        b = c % _NBUF
        pltpu.make_async_copy(z_hbm.at[src_v.at[c]], rows_s.at[b],
                              semr.at[b]).wait()

    def _start_add(c):
        b = c % _NBUF
        pltpu.async_copy(z_hbm.at[dst_v.at[c]], rows_s.at[b],
                         sema.at[b], add=True)

    def _wait_add(c):
        b = c % _NBUF
        pltpu.make_async_copy(z_hbm.at[dst_v.at[c]], rows_s.at[b],
                              sema.at[b]).wait()

    for i in range(_NBUF - 1):
        _start_rows(i)
    for j in range(_AA):
        _wait_rows(j)
        _start_add(j)

    def chunk_body(c, carry):
        b = c % _NBUF

        @pl.when(c + _NBUF - 1 < _CHUNKS)
        def _():
            _start_rows(c + _NBUF - 1)

        @pl.when(c + _AA < _CHUNKS)
        def _():
            _wait_rows(c + _AA)
            _start_add(c + _AA)

        _wait_add(c)

        def group_body(g, carry2):
            row_idx = g * _L + lane
            _K = 8

            def d_body(d, carry3):
                accs, cols = carry3
                new_accs = []
                new_cols = []
                for k in range(_K):
                    s = plsc.load_gather(rows_s.at[b], [row_idx, cols[k]])
                    new_accs.append(accs[k] + s * s)
                    new_cols.append((cols[k] + _K) & (D_FEAT - 1))
                return tuple(new_accs), tuple(new_cols)

            zero = jnp.zeros((_L,), jnp.float32)
            accs, _ = lax.fori_loop(
                0, D_FEAT // _K, d_body,
                ((zero,) * _K,
                 tuple(lane + k for k in range(_K))),
                unroll=4)
            while len(accs) > 1:
                accs = tuple(accs[i] + accs[i + 1]
                             for i in range(0, len(accs), 2))
            q = accs[0]
            sidx = src_v[c, pl.ds(g * _L, _L)]
            didx = dst_v[c, pl.ds(g * _L, _L)]
            nsum = (plsc.load_gather(norm_v, [sidx])
                    + plsc.load_gather(norm_v, [didx]))
            dots = (q - nsum) * 0.5
            out_v[pl.ds(c * _B + g * _L, _L)] = 1.0 / (1.0 + jnp.exp(-dots))
            return carry2

        lax.fori_loop(0, _B // _L, group_body, 0)
        return carry

    lax.fori_loop(0, _CHUNKS, chunk_body, 0)
    pltpu.sync_copy(out_v, out_hbm.at[pl.ds(wid * _EPW, _EPW)])


def kernel(z, edge_index):
    ei = edge_index.astype(jnp.int32)
    src = ei[0].reshape(_NW, _CHUNKS, _B)
    dst = ei[1].reshape(_NW, _CHUNKS, _B)
    norms = _make_norms(z)
    return _gae_sc(z, src, dst, norms)

# --- scband reference (transcript-rebuilt; emitter-appended) ---
"""Pipeline reference for scband-gaejittable-88210038326468 (READ-ONLY COPY).

The authoritative reference and input builder live on the scoring server;
editing this copy changes nothing except your own understanding.
"""

import jax, jax.numpy as jnp
import numpy as np

N_NODES = 10000
D_FEAT = 128
N_EDGES = 320000


def setup_inputs(seed: int = 0) -> dict:
    key = jax.random.key(seed)
    k_z, k_e = jax.random.split(key)
    z = jax.random.normal(k_z, (N_NODES, D_FEAT), dtype=jnp.float32)
    edge_index = jax.random.randint(k_e, (2, N_EDGES), 0, N_NODES, dtype=jnp.int64 if jax.config.jax_enable_x64 else jnp.int32)
    return {"z": z, "edge_index": edge_index}


def reference(z, edge_index):
    # InnerProductDecoderJittable.forward with sigmoid=True
    # value = (z[edge_index[0]] * z[edge_index[1]]).sum(dim=1)
    src = edge_index[0]
    dst = edge_index[1]
    z_src = jnp.take(z, src, axis=0)
    z_dst = jnp.take(z, dst, axis=0)
    value = jnp.sum(z_src * z_dst, axis=1)
    return jax.nn.sigmoid(value)

if __name__ == "__main__":
    import jax
    _d = setup_inputs()
    print(jax.jit(kernel)(*tuple(_d.values())))

</pallas_src>

<mosaic_0001>
#map = affine_map<(d0, d1) -> (0, 0)>
#map1 = affine_map<(d0, d1) -> (0, 0, 0)>
#map2 = affine_map<(d0, d1) -> (0)>
module attributes {stable_mosaic.version = 14 : i64} {
  func.func @_gae_sc(%arg0: i32, %arg1: i32, %arg2: memref<10000x128xf32, #tpu.memory_space<hbm>>, %arg3: memref<32x125x80xi32, #tpu.memory_space<hbm>>, %arg4: memref<32x125x80xi32, #tpu.memory_space<hbm>>, %arg5: memref<10000xf32, #tpu.memory_space<hbm>>, %arg6: memref<320000xf32, #tpu.memory_space<hbm>>, %arg7: memref<125x80xi32, #tpu.memory_space<vmem>>, %arg8: memref<125x80xi32, #tpu.memory_space<vmem>>, %arg9: memref<6x80x128xf32, #tpu.memory_space<vmem>>, %arg10: memref<10000xf32, #tpu.memory_space<vmem>>, %arg11: memref<10000xf32, #tpu.memory_space<vmem>>, %arg12: memref<6x!tpu.dma_semaphore, #tpu.memory_space<semaphore_mem>>, %arg13: memref<6x!tpu.dma_semaphore, #tpu.memory_space<semaphore_mem>>) attributes {dimension_semantics = [#tpu.dimension_semantics<core_parallel>, #tpu.dimension_semantics<subcore_parallel>], iteration_bounds = array<i64: 2, 16>, scalar_prefetch = 0 : i64, scratch_operands = 7 : i64, tpu.core_type = #tpu.core_type<sc_vector_subcore>, window_params = [{transform_indices = #map}, {transform_indices = #map1}, {transform_indices = #map1}, {transform_indices = #map2}, {transform_indices = #map2}]} {
    %mul3A = arith.constant 2 : i32
    %mul3A_0 = arith.muli %arg1, %mul3A : i32
    %add3A = arith.addi %mul3A_0, %arg0 : i32
    "tpu.region"() ({
      %run_scoped3A = tpu.sem_alloc : memref<!tpu.dma_semaphore, #tpu.memory_space<semaphore_mem>>
      %dma_start3A_171 = arith.constant 0 : i32
      %dma_start3A_172 = arith.constant 0 : i32
      %dma_start3A_173 = tpu.memref_slice %arg3[%add3A, %dma_start3A_171, %dma_start3A_172] : memref<32x125x80xi32, #tpu.memory_space<hbm>> -> memref<1x125x80xi32, #tpu.memory_space<hbm>>
      %dma_start3A_174 = tpu.memref_squeeze %dma_start3A_173 : memref<1x125x80xi32, #tpu.memory_space<hbm>> -> memref<125x80xi32, #tpu.memory_space<hbm>>
      %dma_start3A_175 = arith.constant 0 : i32
      %dma_start3A_176 = arith.constant 0 : i32
      %dma_start3A_177 = tpu.memref_slice %arg3[%add3A, %dma_start3A_175, %dma_start3A_176] : memref<32x125x80xi32, #tpu.memory_space<hbm>> -> memref<1x125x80xi32, #tpu.memory_space<hbm>>
      %dma_start3A_178 = tpu.memref_squeeze %dma_start3A_177 : memref<1x125x80xi32, #tpu.memory_space<hbm>> -> memref<125x80xi32, #tpu.memory_space<hbm>>
      tpu.enqueue_dma source(%dma_start3A_178 : memref<125x80xi32, #tpu.memory_space<hbm>>) target(%arg7 : memref<125x80xi32, #tpu.memory_space<vmem>>) target_semaphore(%run_scoped3A : memref<!tpu.dma_semaphore, #tpu.memory_space<semaphore_mem>>)
      %dma_wait3A_179 = arith.constant 0 : i32
      %dma_wait3A_180 = arith.constant 0 : i32
      %dma_wait3A_181 = tpu.memref_slice %arg3[%add3A, %dma_wait3A_179, %dma_wait3A_180] : memref<32x125x80xi32, #tpu.memory_space<hbm>> -> memref<1x125x80xi32, #tpu.memory_space<hbm>>
      %dma_wait3A_182 = tpu.memref_squeeze %dma_wait3A_181 : memref<1x125x80xi32, #tpu.memory_space<hbm>> -> memref<125x80xi32, #tpu.memory_space<hbm>>
      %dma_wait3A_183 = arith.constant 0 : i32
      %dma_wait3A_184 = arith.constant 0 : i32
      %dma_wait3A_185 = tpu.memref_slice %arg3[%add3A, %dma_wait3A_183, %dma_wait3A_184] : memref<32x125x80xi32, #tpu.memory_space<hbm>> -> memref<1x125x80xi32, #tpu.memory_space<hbm>>
      %dma_wait3A_186 = tpu.memref_squeeze %dma_wait3A_185 : memref<1x125x80xi32, #tpu.memory_space<hbm>> -> memref<125x80xi32, #tpu.memory_space<hbm>>
      tpu.wait_dma2 semaphore(%run_scoped3A : memref<!tpu.dma_semaphore, #tpu.memory_space<semaphore_mem>>) src(%dma_wait3A_186 : memref<125x80xi32, #tpu.memory_space<hbm>>) dst(%arg7 : memref<125x80xi32, #tpu.memory_space<vmem>>)
      tpu.yield
    }) : () -> ()
    "tpu.region"() ({
      %run_scoped3A = tpu.sem_alloc : memref<!tpu.dma_semaphore, #tpu.memory_space<semaphore_mem>>
      %dma_start3A_171 = arith.constant 0 : i32
      %dma_start3A_172 = arith.constant 0 : i32
      %dma_start3A_173 = tpu.memref_slice %arg4[%add3A, %dma_start3A_171, %dma_start3A_172] : memref<32x125x80xi32, #tpu.memory_space<hbm>> -> memref<1x125x80xi32, #tpu.memory_space<hbm>>
      %dma_start3A_174 = tpu.memref_squeeze %dma_start3A_173 : memref<1x125x80xi32, #tpu.memory_space<hbm>> -> memref<125x80xi32, #tpu.memory_space<hbm>>
      %dma_start3A_175 = arith.constant 0 : i32
      %dma_start3A_176 = arith.constant 0 : i32
      %dma_start3A_177 = tpu.memref_slice %arg4[%add3A, %dma_start3A_175, %dma_start3A_176] : memref<32x125x80xi32, #tpu.memory_space<hbm>> -> memref<1x125x80xi32, #tpu.memory_space<hbm>>
      %dma_start3A_178 = tpu.memref_squeeze %dma_start3A_177 : memref<1x125x80xi32, #tpu.memory_space<hbm>> -> memref<125x80xi32, #tpu.memory_space<hbm>>
      tpu.enqueue_dma source(%dma_start3A_178 : memref<125x80xi32, #tpu.memory_space<hbm>>) target(%arg8 : memref<125x80xi32, #tpu.memory_space<vmem>>) target_semaphore(%run_scoped3A : memref<!tpu.dma_semaphore, #tpu.memory_space<semaphore_mem>>)
      %dma_wait3A_179 = arith.constant 0 : i32
      %dma_wait3A_180 = arith.constant 0 : i32
      %dma_wait3A_181 = tpu.memref_slice %arg4[%add3A, %dma_wait3A_179, %dma_wait3A_180] : memref<32x125x80xi32, #tpu.memory_space<hbm>> -> memref<1x125x80xi32, #tpu.memory_space<hbm>>
      %dma_wait3A_182 = tpu.memref_squeeze %dma_wait3A_181 : memref<1x125x80xi32, #tpu.memory_space<hbm>> -> memref<125x80xi32, #tpu.memory_space<hbm>>
      %dma_wait3A_183 = arith.constant 0 : i32
      %dma_wait3A_184 = arith.constant 0 : i32
      %dma_wait3A_185 = tpu.memref_slice %arg4[%add3A, %dma_wait3A_183, %dma_wait3A_184] : memref<32x125x80xi32, #tpu.memory_space<hbm>> -> memref<1x125x80xi32, #tpu.memory_space<hbm>>
      %dma_wait3A_186 = tpu.memref_squeeze %dma_wait3A_185 : memref<1x125x80xi32, #tpu.memory_space<hbm>> -> memref<125x80xi32, #tpu.memory_space<hbm>>
      tpu.wait_dma2 semaphore(%run_scoped3A : memref<!tpu.dma_semaphore, #tpu.memory_space<semaphore_mem>>) src(%dma_wait3A_186 : memref<125x80xi32, #tpu.memory_space<hbm>>) dst(%arg8 : memref<125x80xi32, #tpu.memory_space<vmem>>)
      tpu.yield
    }) : () -> ()
    "tpu.region"() ({
      %run_scoped3A = tpu.sem_alloc : memref<!tpu.dma_semaphore, #tpu.memory_space<semaphore_mem>>
      tpu.enqueue_dma source(%arg5 : memref<10000xf32, #tpu.memory_space<hbm>>) target(%arg10 : memref<10000xf32, #tpu.memory_space<vmem>>) target_semaphore(%run_scoped3A : memref<!tpu.dma_semaphore, #tpu.memory_space<semaphore_mem>>)
      tpu.wait_dma2 semaphore(%run_scoped3A : memref<!tpu.dma_semaphore, #tpu.memory_space<semaphore_mem>>) src(%arg5 : memref<10000xf32, #tpu.memory_space<hbm>>) dst(%arg10 : memref<10000xf32, #tpu.memory_space<vmem>>)
      tpu.yield
    }) : () -> ()
    %iota3A = tpu.iota {dimensions = array<i32: 0>} : vector<16xi32>
    %dma_start3A = arith.constant 0 : i32
    %dma_start3A_1 = arith.constant 0 : i32
    %dma_start3A_2 = arith.constant 0 : i32
    %dma_start3A_3 = arith.constant 0 : i32
    %dma_start3A_4 = arith.constant 0 : i32
    %dma_start3A_5 = tpu.memref_slice %arg9[%dma_start3A_1, %dma_start3A_3, %dma_start3A_4] : memref<6x80x128xf32, #tpu.memory_space<vmem>> -> memref<1x80x128xf32, #tpu.memory_space<vmem>>
    %dma_start3A_6 = tpu.memref_squeeze %dma_start3A_5 : memref<1x80x128xf32, #tpu.memory_space<vmem>> -> memref<80x128xf32, #tpu.memory_space<vmem>>
    %dma_start3A_7 = arith.constant 0 : i32
    %dma_start3A_8 = tpu.memref_slice %arg7[%dma_start3A, %dma_start3A_7] : memref<125x80xi32, #tpu.memory_space<vmem>> -> memref<1x80xi32, #tpu.memory_space<vmem>>
    %dma_start3A_9 = tpu.memref_squeeze %dma_start3A_8 : memref<1x80xi32, #tpu.memory_space<vmem>> -> memref<80xi32, #tpu.memory_space<vmem>>
    %dma_start3A_10 = arith.constant 0 : i32
    %dma_start3A_11 = arith.constant 0 : i32
    %dma_start3A_12 = tpu.memref_slice %arg2[%dma_start3A_10, %dma_start3A_11] : memref<10000x128xf32, #tpu.memory_space<hbm>> -> memref<10000x128xf32, #tpu.memory_space<hbm>>
    %dma_start3A_13 = tpu.memref_slice %arg12[%dma_start3A_2] : memref<6x!tpu.dma_semaphore, #tpu.memory_space<semaphore_mem>> -> memref<1x!tpu.dma_semaphore, #tpu.memory_space<semaphore_mem>>
    %dma_start3A_14 = tpu.memref_squeeze %dma_start3A_13 : memref<1x!tpu.dma_semaphore, #tpu.memory_space<semaphore_mem>> -> memref<!tpu.dma_semaphore, #tpu.memory_space<semaphore_mem>>
    tpu.enqueue_indirect_dma source(%dma_start3A_12 : memref<10000x128xf32, #tpu.memory_space<hbm>>) target(%dma_start3A_6 : memref<80x128xf32, #tpu.memory_space<vmem>>) offsets(%dma_start3A_9 : memref<80xi32, #tpu.memory_space<vmem>>) semaphore(%dma_start3A_14 : memref<!tpu.dma_semaphore, #tpu.memory_space<semaphore_mem>>)
    %dma_start3A_15 = arith.constant 1 : i32
    %dma_start3A_16 = arith.constant 1 : i32
    %dma_start3A_17 = arith.constant 1 : i32
    %dma_start3A_18 = arith.constant 0 : i32
    %dma_start3A_19 = arith.constant 0 : i32
    %dma_start3A_20 = tpu.memref_slice %arg9[%dma_start3A_16, %dma_start3A_18, %dma_start3A_19] : memref<6x80x128xf32, #tpu.memory_space<vmem>> -> memref<1x80x128xf32, #tpu.memory_space<vmem>>
    %dma_start3A_21 = tpu.memref_squeeze %dma_start3A_20 : memref<1x80x128xf32, #tpu.memory_space<vmem>> -> memref<80x128xf32, #tpu.memory_space<vmem>>
    %dma_start3A_22 = arith.constant 0 : i32
    %dma_start3A_23 = tpu.memref_slice %arg7[%dma_start3A_15, %dma_start3A_22] : memref<125x80xi32, #tpu.memory_space<vmem>> -> memref<1x80xi32, #tpu.memory_space<vmem>>
    %dma_start3A_24 = tpu.memref_squeeze %dma_start3A_23 : memref<1x80xi32, #tpu.memory_space<vmem>> -> memref<80xi32, #tpu.memory_space<vmem>>
    %dma_start3A_25 = arith.constant 0 : i32
    %dma_start3A_26 = arith.constant 0 : i32
    %dma_start3A_27 = tpu.memref_slice %arg2[%dma_start3A_25, %dma_start3A_26] : memref<10000x128xf32, #tpu.memory_space<hbm>> -> memref<10000x128xf32, #tpu.memory_space<hbm>>
    %dma_start3A_28 = tpu.memref_slice %arg12[%dma_start3A_17] : memref<6x!tpu.dma_semaphore, #tpu.memory_space<semaphore_mem>> -> memref<1x!tpu.dma_semaphore, #tpu.memory_space<semaphore_mem>>
    %dma_start3A_29 = tpu.memref_squeeze %dma_start3A_28 : memref<1x!tpu.dma_semaphore, #tpu.memory_space<semaphore_mem>> -> memref<!tpu.dma_semaphore, #tpu.memory_space<semaphore_mem>>
    tpu.enqueue_indirect_dma source(%dma_start3A_27 : memref<10000x128xf32, #tpu.memory_space<hbm>>) target(%dma_start3A_21 : memref<80x128xf32, #tpu.memory_space<vmem>>) offsets(%dma_start3A_24 : memref<80xi32, #tpu.memory_space<vmem>>) semaphore(%dma_start3A_29 : memref<!tpu.dma_semaphore, #tpu.memory_space<semaphore_mem>>)
    %dma_start3A_30 = arith.constant 2 : i32
    %dma_start3A_31 = arith.constant 2 : i32
    %dma_start3A_32 = arith.constant 2 : i32
    %dma_start3A_33 = arith.constant 0 : i32
    %dma_start3A_34 = arith.constant 0 : i32
    %dma_start3A_35 = tpu.memref_slice %arg9[%dma_start3A_31, %dma_start3A_33, %dma_start3A_34] : memref<6x80x128xf32, #tpu.memory_space<vmem>> -> memref<1x80x128xf32, #tpu.memory_space<vmem>>
    %dma_start3A_36 = tpu.memref_squeeze %dma_start3A_35 : memref<1x80x128xf32, #tpu.memory_space<vmem>> -> memref<80x128xf32, #tpu.memory_space<vmem>>
    %dma_start3A_37 = arith.constant 0 : i32
    %dma_start3A_38 = tpu.memref_slice %arg7[%dma_start3A_30, %dma_start3A_37] : memref<125x80xi32, #tpu.memory_space<vmem>> -> memref<1x80xi32, #tpu.memory_space<vmem>>
    %dma_start3A_39 = tpu.memref_squeeze %dma_start3A_38 : memref<1x80xi32, #tpu.memory_space<vmem>> -> memref<80xi32, #tpu.memory_space<vmem>>
    %dma_start3A_40 = arith.constant 0 : i32
    %dma_start3A_41 = arith.constant 0 : i32
    %dma_start3A_42 = tpu.memref_slice %arg2[%dma_start3A_40, %dma_start3A_41] : memref<10000x128xf32, #tpu.memory_space<hbm>> -> memref<10000x128xf32, #tpu.memory_space<hbm>>
    %dma_start3A_43 = tpu.memref_slice %arg12[%dma_start3A_32] : memref<6x!tpu.dma_semaphore, #tpu.memory_space<semaphore_mem>> -> memref<1x!tpu.dma_semaphore, #tpu.memory_space<semaphore_mem>>
    %dma_start3A_44 = tpu.memref_squeeze %dma_start3A_43 : memref<1x!tpu.dma_semaphore, #tpu.memory_space<semaphore_mem>> -> memref<!tpu.dma_semaphore, #tpu.memory_space<semaphore_mem>>
    tpu.enqueue_indirect_dma source(%dma_start3A_42 : memref<10000x128xf32, #tpu.memory_space<hbm>>) target(%dma_start3A_36 : memref<80x128xf32, #tpu.memory_space<vmem>>) offsets(%dma_start3A_39 : memref<80xi32, #tpu.memory_space<vmem>>) semaphore(%dma_start3A_44 : memref<!tpu.dma_semaphore, #tpu.memory_space<semaphore_mem>>)
    %dma_start3A_45 = arith.constant 3 : i32
    %dma_start3A_46 = arith.constant 3 : i32
    %dma_start3A_47 = arith.constant 3 : i32
    %dma_start3A_48 = arith.constant 0 : i32
    %dma_start3A_49 = arith.constant 0 : i32
    %dma_start3A_50 = tpu.memref_slice %arg9[%dma_start3A_46, %dma_start3A_48, %dma_start3A_49] : memref<6x80x128xf32, #tpu.memory_space<vmem>> -> memref<1x80x128xf32, #tpu.memory_space<vmem>>
    %dma_start3A_51 = tpu.memref_squeeze %dma_start3A_50 : memref<1x80x128xf32, #tpu.memory_space<vmem>> -> memref<80x128xf32, #tpu.memory_space<vmem>>
    %dma_start3A_52 = arith.constant 0 : i32
    %dma_start3A_53 = tpu.memref_slice %arg7[%dma_start3A_45, %dma_start3A_52] : memref<125x80xi32, #tpu.memory_space<vmem>> -> memref<1x80xi32, #tpu.memory_space<vmem>>
    %dma_start3A_54 = tpu.memref_squeeze %dma_start3A_53 : memref<1x80xi32, #tpu.memory_space<vmem>> -> memref<80xi32, #tpu.memory_space<vmem>>
    %dma_start3A_55 = arith.constant 0 : i32
    %dma_start3A_56 = arith.constant 0 : i32
    %dma_start3A_57 = tpu.memref_slice %arg2[%dma_start3A_55, %dma_start3A_56] : memref<10000x128xf32, #tpu.memory_space<hbm>> -> memref<10000x128xf32, #tpu.memory_space<hbm>>
    %dma_start3A_58 = tpu.memref_slice %arg12[%dma_start3A_47] : memref<6x!tpu.dma_semaphore, #tpu.memory_space<semaphore_mem>> -> memref<1x!tpu.dma_semaphore, #tpu.memory_space<semaphore_mem>>
    %dma_start3A_59 = tpu.memref_squeeze %dma_start3A_58 : memref<1x!tpu.dma_semaphore, #tpu.memory_space<semaphore_mem>> -> memref<!tpu.dma_semaphore, #tpu.memory_space<semaphore_mem>>
    tpu.enqueue_indirect_dma source(%dma_start3A_57 : memref<10000x128xf32, #tpu.memory_space<hbm>>) target(%dma_start3A_51 : memref<80x128xf32, #tpu.memory_space<vmem>>) offsets(%dma_start3A_54 : memref<80xi32, #tpu.memory_space<vmem>>) semaphore(%dma_start3A_59 : memref<!tpu.dma_semaphore, #tpu.memory_space<semaphore_mem>>)
    %dma_start3A_60 = arith.constant 4 : i32
    %dma_start3A_61 = arith.constant 4 : i32
    %dma_start3A_62 = arith.constant 4 : i32
    %dma_start3A_63 = arith.constant 0 : i32
    %dma_start3A_64 = arith.constant 0 : i32
    %dma_start3A_65 = tpu.memref_slice %arg9[%dma_start3A_61, %dma_start3A_63, %dma_start3A_64] : memref<6x80x128xf32, #tpu.memory_space<vmem>> -> memref<1x80x128xf32, #tpu.memory_space<vmem>>
    %dma_start3A_66 = tpu.memref_squeeze %dma_start3A_65 : memref<1x80x128xf32, #tpu.memory_space<vmem>> -> memref<80x128xf32, #tpu.memory_space<vmem>>
    %dma_start3A_67 = arith.constant 0 : i32
    %dma_start3A_68 = tpu.memref_slice %arg7[%dma_start3A_60, %dma_start3A_67] : memref<125x80xi32, #tpu.memory_space<vmem>> -> memref<1x80xi32, #tpu.memory_space<vmem>>
    %dma_start3A_69 = tpu.memref_squeeze %dma_start3A_68 : memref<1x80xi32, #tpu.memory_space<vmem>> -> memref<80xi32, #tpu.memory_space<vmem>>
    %dma_start3A_70 = arith.constant 0 : i32
    %dma_start3A_71 = arith.constant 0 : i32
    %dma_start3A_72 = tpu.memref_slice %arg2[%dma_start3A_70, %dma_start3A_71] : memref<10000x128xf32, #tpu.memory_space<hbm>> -> memref<10000x128xf32, #tpu.memory_space<hbm>>
    %dma_start3A_73 = tpu.memref_slice %arg12[%dma_start3A_62] : memref<6x!tpu.dma_semaphore, #tpu.memory_space<semaphore_mem>> -> memref<1x!tpu.dma_semaphore, #tpu.memory_space<semaphore_mem>>
    %dma_start3A_74 = tpu.memref_squeeze %dma_start3A_73 : memref<1x!tpu.dma_semaphore, #tpu.memory_space<semaphore_mem>> -> memref<!tpu.dma_semaphore, #tpu.memory_space<semaphore_mem>>
    tpu.enqueue_indirect_dma source(%dma_start3A_72 : memref<10000x128xf32, #tpu.memory_space<hbm>>) target(%dma_start3A_66 : memref<80x128xf32, #tpu.memory_space<vmem>>) offsets(%dma_start3A_69 : memref<80xi32, #tpu.memory_space<vmem>>) semaphore(%dma_start3A_74 : memref<!tpu.dma_semaphore, #tpu.memory_space<semaphore_mem>>)
    %dma_wait3A = arith.constant 0 : i32
    %dma_wait3A_75 = arith.constant 0 : i32
    %dma_wait3A_76 = arith.constant 0 : i32
    %dma_wait3A_77 = arith.constant 0 : i32
    %dma_wait3A_78 = arith.constant 0 : i32
    %dma_wait3A_79 = tpu.memref_slice %arg9[%dma_wait3A_75, %dma_wait3A_77, %dma_wait3A_78] : memref<6x80x128xf32, #tpu.memory_space<vmem>> -> memref<1x80x128xf32, #tpu.memory_space<vmem>>
    %dma_wait3A_80 = tpu.memref_squeeze %dma_wait3A_79 : memref<1x80x128xf32, #tpu.memory_space<vmem>> -> memref<80x128xf32, #tpu.memory_space<vmem>>
    %dma_wait3A_81 = arith.constant 0 : i32
    %dma_wait3A_82 = tpu.memref_slice %arg7[%dma_wait3A, %dma_wait3A_81] : memref<125x80xi32, #tpu.memory_space<vmem>> -> memref<1x80xi32, #tpu.memory_space<vmem>>
    %dma_wait3A_83 = tpu.memref_squeeze %dma_wait3A_82 : memref<1x80xi32, #tpu.memory_space<vmem>> -> memref<80xi32, #tpu.memory_space<vmem>>
    %dma_wait3A_84 = arith.constant 0 : i32
    %dma_wait3A_85 = arith.constant 0 : i32
    %dma_wait3A_86 = tpu.memref_slice %arg2[%dma_wait3A_84, %dma_wait3A_85] : memref<10000x128xf32, #tpu.memory_space<hbm>> -> memref<10000x128xf32, #tpu.memory_space<hbm>>
    %dma_wait3A_87 = tpu.memref_slice %arg12[%dma_wait3A_76] : memref<6x!tpu.dma_semaphore, #tpu.memory_space<semaphore_mem>> -> memref<1x!tpu.dma_semaphore, #tpu.memory_space<semaphore_mem>>
    %dma_wait3A_88 = tpu.memref_squeeze %dma_wait3A_87 : memref<1x!tpu.dma_semaphore, #tpu.memory_space<semaphore_mem>> -> memref<!tpu.dma_semaphore, #tpu.memory_space<semaphore_mem>>
    tpu.wait_indirect_dma semaphore(%dma_wait3A_88 : memref<!tpu.dma_semaphore, #tpu.memory_space<semaphore_mem>>) src(%dma_wait3A_86 : memref<10000x128xf32, #tpu.memory_space<hbm>>) dst(%dma_wait3A_80 : memref<80x128xf32, #tpu.memory_space<vmem>>)
    %dma_start3A_89 = arith.constant 0 : i32
    %dma_start3A_90 = arith.constant 0 : i32
    %dma_start3A_91 = arith.constant 0 : i32
    %dma_start3A_92 = arith.constant 0 : i32
    %dma_start3A_93 = arith.constant 0 : i32
    %dma_start3A_94 = tpu.memref_slice %arg9[%dma_start3A_90, %dma_start3A_92, %dma_start3A_93] : memref<6x80x128xf32, #tpu.memory_space<vmem>> -> memref<1x80x128xf32, #tpu.memory_space<vmem>>
    %dma_start3A_95 = tpu.memref_squeeze %dma_start3A_94 : memref<1x80x128xf32, #tpu.memory_space<vmem>> -> memref<80x128xf32, #tpu.memory_space<vmem>>
    %dma_start3A_96 = arith.constant 0 : i32
    %dma_start3A_97 = tpu.memref_slice %arg8[%dma_start3A_89, %dma_start3A_96] : memref<125x80xi32, #tpu.memory_space<vmem>> -> memref<1x80xi32, #tpu.memory_space<vmem>>
    %dma_start3A_98 = tpu.memref_squeeze %dma_start3A_97 : memref<1x80xi32, #tpu.memory_space<vmem>> -> memref<80xi32, #tpu.memory_space<vmem>>
    %dma_start3A_99 = arith.constant 0 : i32
    %dma_start3A_100 = arith.constant 0 : i32
    %dma_start3A_101 = tpu.memref_slice %arg2[%dma_start3A_99, %dma_start3A_100] : memref<10000x128xf32, #tpu.memory_space<hbm>> -> memref<10000x128xf32, #tpu.memory_space<hbm>>
    %dma_start3A_102 = tpu.memref_slice %arg13[%dma_start3A_91] : memref<6x!tpu.dma_semaphore, #tpu.memory_space<semaphore_mem>> -> memref<1x!tpu.dma_semaphore, #tpu.memory_space<semaphore_mem>>
    %dma_start3A_103 = tpu.memref_squeeze %dma_start3A_102 : memref<1x!tpu.dma_semaphore, #tpu.memory_space<semaphore_mem>> -> memref<!tpu.dma_semaphore, #tpu.memory_space<semaphore_mem>>
    tpu.enqueue_indirect_dma source(%dma_start3A_101 : memref<10000x128xf32, #tpu.memory_space<hbm>>) target(%dma_start3A_95 : memref<80x128xf32, #tpu.memory_space<vmem>>) offsets(%dma_start3A_98 : memref<80xi32, #tpu.memory_space<vmem>>) semaphore(%dma_start3A_103 : memref<!tpu.dma_semaphore, #tpu.memory_space<semaphore_mem>>) {add = true}
    %dma_wait3A_104 = arith.constant 1 : i32
    %dma_wait3A_105 = arith.constant 1 : i32
    %dma_wait3A_106 = arith.constant 1 : i32
    %dma_wait3A_107 = arith.constant 0 : i32
    %dma_wait3A_108 = arith.constant 0 : i32
    %dma_wait3A_109 = tpu.memref_slice %arg9[%dma_wait3A_105, %dma_wait3A_107, %dma_wait3A_108] : memref<6x80x128xf32, #tpu.memory_space<vmem>> -> memref<1x80x128xf32, #tpu.memory_space<vmem>>
    %dma_wait3A_110 = tpu.memref_squeeze %dma_wait3A_109 : memref<1x80x128xf32, #tpu.memory_space<vmem>> -> memref<80x128xf32, #tpu.memory_space<vmem>>
    %dma_wait3A_111 = arith.constant 0 : i32
    %dma_wait3A_112 = tpu.memref_slice %arg7[%dma_wait3A_104, %dma_wait3A_111] : memref<125x80xi32, #tpu.memory_space<vmem>> -> memref<1x80xi32, #tpu.memory_space<vmem>>
    %dma_wait3A_113 = tpu.memref_squeeze %dma_wait3A_112 : memref<1x80xi32, #tpu.memory_space<vmem>> -> memref<80xi32, #tpu.memory_space<vmem>>
    %dma_wait3A_114 = arith.constant 0 : i32
    %dma_wait3A_115 = arith.constant 0 : i32
    %dma_wait3A_116 = tpu.memref_slice %arg2[%dma_wait3A_114, %dma_wait3A_115] : memref<10000x128xf32, #tpu.memory_space<hbm>> -> memref<10000x128xf32, #tpu.memory_space<hbm>>
    %dma_wait3A_117 = tpu.memref_slice %arg12[%dma_wait3A_106] : memref<6x!tpu.dma_semaphore, #tpu.memory_space<semaphore_mem>> -> memref<1x!tpu.dma_semaphore, #tpu.memory_space<semaphore_mem>>
    %dma_wait3A_118 = tpu.memref_squeeze %dma_wait3A_117 : memref<1x!tpu.dma_semaphore, #tpu.memory_space<semaphore_mem>> -> memref<!tpu.dma_semaphore, #tpu.memory_space<semaphore_mem>>
    tpu.wait_indirect_dma semaphore(%dma_wait3A_118 : memref<!tpu.dma_semaphore, #tpu.memory_space<semaphore_mem>>) src(%dma_wait3A_116 : memref<10000x128xf32, #tpu.memory_space<hbm>>) dst(%dma_wait3A_110 : memref<80x128xf32, #tpu.memory_space<vmem>>)
    %dma_start3A_119 = arith.constant 1 : i32
    %dma_start3A_120 = arith.constant 1 : i32
    %dma_start3A_121 = arith.constant 1 : i32
    %dma_start3A_122 = arith.constant 0 : i32
    %dma_start3A_123 = arith.constant 0 : i32
    %dma_start3A_124 = tpu.memref_slice %arg9[%dma_start3A_120, %dma_start3A_122, %dma_start3A_123] : memref<6x80x128xf32, #tpu.memory_space<vmem>> -> memref<1x80x128xf32, #tpu.memory_space<vmem>>
    %dma_start3A_125 = tpu.memref_squeeze %dma_start3A_124 : memref<1x80x128xf32, #tpu.memory_space<vmem>> -> memref<80x128xf32, #tpu.memory_space<vmem>>
    %dma_start3A_126 = arith.constant 0 : i32
    %dma_start3A_127 = tpu.memref_slice %arg8[%dma_start3A_119, %dma_start3A_126] : memref<125x80xi32, #tpu.memory_space<vmem>> -> memref<1x80xi32, #tpu.memory_space<vmem>>
    %dma_start3A_128 = tpu.memref_squeeze %dma_start3A_127 : memref<1x80xi32, #tpu.memory_space<vmem>> -> memref<80xi32, #tpu.memory_space<vmem>>
    %dma_start3A_129 = arith.constant 0 : i32
    %dma_start3A_130 = arith.constant 0 : i32
    %dma_start3A_131 = tpu.memref_slice %arg2[%dma_start3A_129, %dma_start3A_130] : memref<10000x128xf32, #tpu.memory_space<hbm>> -> memref<10000x128xf32, #tpu.memory_space<hbm>>
    %dma_start3A_132 = tpu.memref_slice %arg13[%dma_start3A_121] : memref<6x!tpu.dma_semaphore, #tpu.memory_space<semaphore_mem>> -> memref<1x!tpu.dma_semaphore, #tpu.memory_space<semaphore_mem>>
    %dma_start3A_133 = tpu.memref_squeeze %dma_start3A_132 : memref<1x!tpu.dma_semaphore, #tpu.memory_space<semaphore_mem>> -> memref<!tpu.dma_semaphore, #tpu.memory_space<semaphore_mem>>
    tpu.enqueue_indirect_dma source(%dma_start3A_131 : memref<10000x128xf32, #tpu.memory_space<hbm>>) target(%dma_start3A_125 : memref<80x128xf32, #tpu.memory_space<vmem>>) offsets(%dma_start3A_128 : memref<80xi32, #tpu.memory_space<vmem>>) semaphore(%dma_start3A_133 : memref<!tpu.dma_semaphore, #tpu.memory_space<semaphore_mem>>) {add = true}
    %dma_wait3A_134 = arith.constant 2 : i32
    %dma_wait3A_135 = arith.constant 2 : i32
    %dma_wait3A_136 = arith.constant 2 : i32
    %dma_wait3A_137 = arith.constant 0 : i32
    %dma_wait3A_138 = arith.constant 0 : i32
    %dma_wait3A_139 = tpu.memref_slice %arg9[%dma_wait3A_135, %dma_wait3A_137, %dma_wait3A_138] : memref<6x80x128xf32, #tpu.memory_space<vmem>> -> memref<1x80x128xf32, #tpu.memory_space<vmem>>
    %dma_wait3A_140 = tpu.memref_squeeze %dma_wait3A_139 : memref<1x80x128xf32, #tpu.memory_space<vmem>> -> memref<80x128xf32, #tpu.memory_space<vmem>>
    %dma_wait3A_141 = arith.constant 0 : i32
    %dma_wait3A_142 = tpu.memref_slice %arg7[%dma_wait3A_134, %dma_wait3A_141] : memref<125x80xi32, #tpu.memory_space<vmem>> -> memref<1x80xi32, #tpu.memory_space<vmem>>
    %dma_wait3A_143 = tpu.memref_squeeze %dma_wait3A_142 : memref<1x80xi32, #tpu.memory_space<vmem>> -> memref<80xi32, #tpu.memory_space<vmem>>
    %dma_wait3A_144 = arith.constant 0 : i32
    %dma_wait3A_145 = arith.constant 0 : i32
    %dma_wait3A_146 = tpu.memref_slice %arg2[%dma_wait3A_144, %dma_wait3A_145] : memref<10000x128xf32, #tpu.memory_space<hbm>> -> memref<10000x128xf32, #tpu.memory_space<hbm>>
    %dma_wait3A_147 = tpu.memref_slice %arg12[%dma_wait3A_136] : memref<6x!tpu.dma_semaphore, #tpu.memory_space<semaphore_mem>> -> memref<1x!tpu.dma_semaphore, #tpu.memory_space<semaphore_mem>>
    %dma_wait3A_148 = tpu.memref_squeeze %dma_wait3A_147 : memref<1x!tpu.dma_semaphore, #tpu.memory_space<semaphore_mem>> -> memref<!tpu.dma_semaphore, #tpu.memory_space<semaphore_mem>>
    tpu.wait_indirect_dma semaphore(%dma_wait3A_148 : memref<!tpu.dma_semaphore, #tpu.memory_space<semaphore_mem>>) src(%dma_wait3A_146 : memref<10000x128xf32, #tpu.memory_space<hbm>>) dst(%dma_wait3A_140 : memref<80x128xf32, #tpu.memory_space<vmem>>)
    %dma_start3A_149 = arith.constant 2 : i32
    %dma_start3A_150 = arith.constant 2 : i32
    %dma_start3A_151 = arith.constant 2 : i32
    %dma_start3A_152 = arith.constant 0 : i32
    %dma_start3A_153 = arith.constant 0 : i32
    %dma_start3A_154 = tpu.memref_slice %arg9[%dma_start3A_150, %dma_start3A_152, %dma_start3A_153] : memref<6x80x128xf32, #tpu.memory_space<vmem>> -> memref<1x80x128xf32, #tpu.memory_space<vmem>>
    %dma_start3A_155 = tpu.memref_squeeze %dma_start3A_154 : memref<1x80x128xf32, #tpu.memory_space<vmem>> -> memref<80x128xf32, #tpu.memory_space<vmem>>
    %dma_start3A_156 = arith.constant 0 : i32
    %dma_start3A_157 = tpu.memref_slice %arg8[%dma_start3A_149, %dma_start3A_156] : memref<125x80xi32, #tpu.memory_space<vmem>> -> memref<1x80xi32, #tpu.memory_space<vmem>>
    %dma_start3A_158 = tpu.memref_squeeze %dma_start3A_157 : memref<1x80xi32, #tpu.memory_space<vmem>> -> memref<80xi32, #tpu.memory_space<vmem>>
    %dma_start3A_159 = arith.constant 0 : i32
    %dma_start3A_160 = arith.constant 0 : i32
    %dma_start3A_161 = tpu.memref_slice %arg2[%dma_start3A_159, %dma_start3A_160] : memref<10000x128xf32, #tpu.memory_space<hbm>> -> memref<10000x128xf32, #tpu.memory_space<hbm>>
    %dma_start3A_162 = tpu.memref_slice %arg13[%dma_start3A_151] : memref<6x!tpu.dma_semaphore, #tpu.memory_space<semaphore_mem>> -> memref<1x!tpu.dma_semaphore, #tpu.memory_space<semaphore_mem>>
    %dma_start3A_163 = tpu.memref_squeeze %dma_start3A_162 : memref<1x!tpu.dma_semaphore, #tpu.memory_space<semaphore_mem>> -> memref<!tpu.dma_semaphore, #tpu.memory_space<semaphore_mem>>
    tpu.enqueue_indirect_dma source(%dma_start3A_161 : memref<10000x128xf32, #tpu.memory_space<hbm>>) target(%dma_start3A_155 : memref<80x128xf32, #tpu.memory_space<vmem>>) offsets(%dma_start3A_158 : memref<80xi32, #tpu.memory_space<vmem>>) semaphore(%dma_start3A_163 : memref<!tpu.dma_semaphore, #tpu.memory_space<semaphore_mem>>) {add = true}
    %scan3A = arith.constant 0 : i32
    %scan3A_164 = arith.constant 0 : i32
    %scan3A_165 = arith.constant 125 : i32
    %scan3A_166 = arith.addi %scan3A_164, %scan3A_165 : i32
    %scan3A_167 = arith.constant 1 : i32
    scf.for %scan3A_171 = %scan3A_164 to %scan3A_166 step %scan3A_167  : i32 {
      %jit3A = arith.constant 6 : i32
      %eq3A = arith.constant 0 : i32
      %eq3A_172 = arith.cmpi eq, %jit3A, %eq3A : i32
      %jit3A_173 = arith.constant 1 : i32
      %select_n3A = arith.select %eq3A_172, %jit3A_173, %jit3A : i32
      %rem3A = arith.remsi %scan3A_171, %select_n3A : i32
      %ne3A = arith.constant 0 : i32
      %ne3A_174 = arith.cmpi ne, %rem3A, %ne3A : i32
      %lt3A = arith.constant 0 : i32
      %lt3A_175 = arith.cmpi slt, %rem3A, %lt3A : i32
      %lt3A_176 = arith.constant 0 : i32
      %lt3A_177 = arith.cmpi slt, %select_n3A, %lt3A_176 : i32
      %ne3A_178 = arith.xori %lt3A_175, %lt3A_177 : i1
      %and3A = arith.andi %ne3A_178, %ne3A_174 : i1
      %add3A_179 = arith.addi %rem3A, %select_n3A : i32
      %select_n3A_180 = arith.select %and3A, %add3A_179, %rem3A : i32
      %add3A_181 = arith.constant 6 : i32
      %add3A_182 = arith.addi %scan3A_171, %add3A_181 : i32
      %sub3A = arith.constant 1 : i32
      %sub3A_183 = arith.subi %add3A_182, %sub3A : i32
      %lt3A_184 = arith.constant 125 : i32
      %lt3A_185 = arith.cmpi slt, %sub3A_183, %lt3A_184 : i32
      %convert_element_type3A = arith.extui %lt3A_185 : i1 to i32
      %cond3A = arith.constant 0 : i32
      %cond3A_186 = arith.cmpi ne, %convert_element_type3A, %cond3A : i32
      scf.if %cond3A_186 {
        %add3A_228 = arith.constant 6 : i32
        %add3A_229 = arith.addi %scan3A_171, %add3A_228 : i32
        %sub3A_230 = arith.constant 1 : i32
        %sub3A_231 = arith.subi %add3A_229, %sub3A_230 : i32
        %jit3A_232 = arith.constant 6 : i32
        %eq3A_233 = arith.constant 0 : i32
        %eq3A_234 = arith.cmpi eq, %jit3A_232, %eq3A_233 : i32
        %jit3A_235 = arith.constant 1 : i32
        %select_n3A_236 = arith.select %eq3A_234, %jit3A_235, %jit3A_232 : i32
        %rem3A_237 = arith.remsi %sub3A_231, %select_n3A_236 : i32
        %ne3A_238 = arith.constant 0 : i32
        %ne3A_239 = arith.cmpi ne, %rem3A_237, %ne3A_238 : i32
        %lt3A_240 = arith.constant 0 : i32
        %lt3A_241 = arith.cmpi slt, %rem3A_237, %lt3A_240 : i32
        %lt3A_242 = arith.constant 0 : i32
        %lt3A_243 = arith.cmpi slt, %select_n3A_236, %lt3A_242 : i32
        %ne3A_244 = arith.xori %lt3A_241, %lt3A_243 : i1
        %and3A_245 = arith.andi %ne3A_244, %ne3A_239 : i1
        %add3A_246 = arith.addi %rem3A_237, %select_n3A_236 : i32
        %select_n3A_247 = arith.select %and3A_245, %add3A_246, %rem3A_237 : i32
        %dma_start3A_248 = arith.constant 0 : i32
        %dma_start3A_249 = arith.constant 0 : i32
        %dma_start3A_250 = tpu.memref_slice %arg9[%select_n3A_247, %dma_start3A_248, %dma_start3A_249] : memref<6x80x128xf32, #tpu.memory_space<vmem>> -> memref<1x80x128xf32, #tpu.memory_space<vmem>>
        %dma_start3A_251 = tpu.memref_squeeze %dma_start3A_250 : memref<1x80x128xf32, #tpu.memory_space<vmem>> -> memref<80x128xf32, #tpu.memory_space<vmem>>
        %dma_start3A_252 = arith.constant 0 : i32
        %dma_start3A_253 = tpu.memref_slice %arg7[%sub3A_231, %dma_start3A_252] : memref<125x80xi32, #tpu.memory_space<vmem>> -> memref<1x80xi32, #tpu.memory_space<vmem>>
        %dma_start3A_254 = tpu.memref_squeeze %dma_start3A_253 : memref<1x80xi32, #tpu.memory_space<vmem>> -> memref<80xi32, #tpu.memory_space<vmem>>
        %dma_start3A_255 = arith.constant 0 : i32
        %dma_start3A_256 = arith.constant 0 : i32
        %dma_start3A_257 = tpu.memref_slice %arg2[%dma_start3A_255, %dma_start3A_256] : memref<10000x128xf32, #tpu.memory_space<hbm>> -> memref<10000x128xf32, #tpu.memory_space<hbm>>
        %dma_start3A_258 = tpu.memref_slice %arg12[%select_n3A_247] : memref<6x!tpu.dma_semaphore, #tpu.memory_space<semaphore_mem>> -> memref<1x!tpu.dma_semaphore, #tpu.memory_space<semaphore_mem>>
        %dma_start3A_259 = tpu.memref_squeeze %dma_start3A_258 : memref<1x!tpu.dma_semaphore, #tpu.memory_space<semaphore_mem>> -> memref<!tpu.dma_semaphore, #tpu.memory_space<semaphore_mem>>
        tpu.enqueue_indirect_dma source(%dma_start3A_257 : memref<10000x128xf32, #tpu.memory_space<hbm>>) target(%dma_start3A_251 : memref<80x128xf32, #tpu.memory_space<vmem>>) offsets(%dma_start3A_254 : memref<80xi32, #tpu.memory_space<vmem>>) semaphore(%dma_start3A_259 : memref<!tpu.dma_semaphore, #tpu.memory_space<semaphore_mem>>)
      } else {
      }
      %add3A_187 = arith.constant 3 : i32
      %add3A_188 = arith.addi %scan3A_171, %add3A_187 : i32
      %lt3A_189 = arith.constant 125 : i32
      %lt3A_190 = arith.cmpi slt, %add3A_188, %lt3A_189 : i32
      %convert_element_type3A_191 = arith.extui %lt3A_190 : i1 to i32
      %cond3A_192 = arith.constant 0 : i32
      %cond3A_193 = arith.cmpi ne, %convert_element_type3A_191, %cond3A_192 : i32
      scf.if %cond3A_193 {
        %add3A_228 = arith.constant 3 : i32
        %add3A_229 = arith.addi %scan3A_171, %add3A_228 : i32
        %jit3A_230 = arith.constant 6 : i32
        %eq3A_231 = arith.constant 0 : i32
        %eq3A_232 = arith.cmpi eq, %jit3A_230, %eq3A_231 : i32
        %jit3A_233 = arith.constant 1 : i32
        %select_n3A_234 = arith.select %eq3A_232, %jit3A_233, %jit3A_230 : i32
        %rem3A_235 = arith.remsi %add3A_229, %select_n3A_234 : i32
        %ne3A_236 = arith.constant 0 : i32
        %ne3A_237 = arith.cmpi ne, %rem3A_235, %ne3A_236 : i32
        %lt3A_238 = arith.constant 0 : i32
        %lt3A_239 = arith.cmpi slt, %rem3A_235, %lt3A_238 : i32
        %lt3A_240 = arith.constant 0 : i32
        %lt3A_241 = arith.cmpi slt, %select_n3A_234, %lt3A_240 : i32
        %ne3A_242 = arith.xori %lt3A_239, %lt3A_241 : i1
        %and3A_243 = arith.andi %ne3A_242, %ne3A_237 : i1
        %add3A_244 = arith.addi %rem3A_235, %select_n3A_234 : i32
        %select_n3A_245 = arith.select %and3A_243, %add3A_244, %rem3A_235 : i32
        %dma_wait3A_246 = arith.constant 0 : i32
        %dma_wait3A_247 = arith.constant 0 : i32
        %dma_wait3A_248 = tpu.memref_slice %arg9[%select_n3A_245, %dma_wait3A_246, %dma_wait3A_247] : memref<6x80x128xf32, #tpu.memory_space<vmem>> -> memref<1x80x128xf32, #tpu.memory_space<vmem>>
        %dma_wait3A_249 = tpu.memref_squeeze %dma_wait3A_248 : memref<1x80x128xf32, #tpu.memory_space<vmem>> -> memref<80x128xf32, #tpu.memory_space<vmem>>
        %dma_wait3A_250 = arith.constant 0 : i32
        %dma_wait3A_251 = tpu.memref_slice %arg7[%add3A_229, %dma_wait3A_250] : memref<125x80xi32, #tpu.memory_space<vmem>> -> memref<1x80xi32, #tpu.memory_space<vmem>>
        %dma_wait3A_252 = tpu.memref_squeeze %dma_wait3A_251 : memref<1x80xi32, #tpu.memory_space<vmem>> -> memref<80xi32, #tpu.memory_space<vmem>>
        %dma_wait3A_253 = arith.constant 0 : i32
        %dma_wait3A_254 = arith.constant 0 : i32
        %dma_wait3A_255 = tpu.memref_slice %arg2[%dma_wait3A_253, %dma_wait3A_254] : memref<10000x128xf32, #tpu.memory_space<hbm>> -> memref<10000x128xf32, #tpu.memory_space<hbm>>
        %dma_wait3A_256 = tpu.memref_slice %arg12[%select_n3A_245] : memref<6x!tpu.dma_semaphore, #tpu.memory_space<semaphore_mem>> -> memref<1x!tpu.dma_semaphore, #tpu.memory_space<semaphore_mem>>
        %dma_wait3A_257 = tpu.memref_squeeze %dma_wait3A_256 : memref<1x!tpu.dma_semaphore, #tpu.memory_space<semaphore_mem>> -> memref<!tpu.dma_semaphore, #tpu.memory_space<semaphore_mem>>
        tpu.wait_indirect_dma semaphore(%dma_wait3A_257 : memref<!tpu.dma_semaphore, #tpu.memory_space<semaphore_mem>>) src(%dma_wait3A_255 : memref<10000x128xf32, #tpu.memory_space<hbm>>) dst(%dma_wait3A_249 : memref<80x128xf32, #tpu.memory_space<vmem>>)
        %add3A_258 = arith.constant 3 : i32
        %add3A_259 = arith.addi %scan3A_171, %add3A_258 : i32
        %jit3A_260 = arith.constant 6 : i32
        %eq3A_261 = arith.constant 0 : i32
        %eq3A_262 = arith.cmpi eq, %jit3A_260, %eq3A_261 : i32
        %jit3A_263 = arith.constant 1 : i32
        %select_n3A_264 = arith.select %eq3A_262, %jit3A_263, %jit3A_260 : i32
        %rem3A_265 = arith.remsi %add3A_259, %select_n3A_264 : i32
        %ne3A_266 = arith.constant 0 : i32
        %ne3A_267 = arith.cmpi ne, %rem3A_265, %ne3A_266 : i32
        %lt3A_268 = arith.constant 0 : i32
        %lt3A_269 = arith.cmpi slt, %rem3A_265, %lt3A_268 : i32
        %lt3A_270 = arith.constant 0 : i32
        %lt3A_271 = arith.cmpi slt, %select_n3A_264, %lt3A_270 : i32
        %ne3A_272 = arith.xori %lt3A_269, %lt3A_271 : i1
        %and3A_273 = arith.andi %ne3A_272, %ne3A_267 : i1
        %add3A_274 = arith.addi %rem3A_265, %select_n3A_264 : i32
        %select_n3A_275 = arith.select %and3A_273, %add3A_274, %rem3A_265 : i32
        %dma_start3A_276 = arith.constant 0 : i32
        %dma_start3A_277 = arith.constant 0 : i32
        %dma_start3A_278 = tpu.memref_slice %arg9[%select_n3A_275, %dma_start3A_276, %dma_start3A_277] : memref<6x80x128xf32, #tpu.memory_space<vmem>> -> memref<1x80x128xf32, #tpu.memory_space<vmem>>
        %dma_start3A_279 = tpu.memref_squeeze %dma_start3A_278 : memref<1x80x128xf32, #tpu.memory_space<vmem>> -> memref<80x128xf32, #tpu.memory_space<vmem>>
        %dma_start3A_280 = arith.constant 0 : i32
        %dma_start3A_281 = tpu.memref_slice %arg8[%add3A_259, %dma_start3A_280] : memref<125x80xi32, #tpu.memory_space<vmem>> -> memref<1x80xi32, #tpu.memory_space<vmem>>
        %dma_start3A_282 = tpu.memref_squeeze %dma_start3A_281 : memref<1x80xi32, #tpu.memory_space<vmem>> -> memref<80xi32, #tpu.memory_space<vmem>>
        %dma_start3A_283 = arith.constant 0 : i32
        %dma_start3A_284 = arith.constant 0 : i32
        %dma_start3A_285 = tpu.memref_slice %arg2[%dma_start3A_283, %dma_start3A_284] : memref<10000x128xf32, #tpu.memory_space<hbm>> -> memref<10000x128xf32, #tpu.memory_space<hbm>>
        %dma_start3A_286 = tpu.memref_slice %arg13[%select_n3A_275] : memref<6x!tpu.dma_semaphore, #tpu.memory_space<semaphore_mem>> -> memref<1x!tpu.dma_semaphore, #tpu.memory_space<semaphore_mem>>
        %dma_start3A_287 = tpu.memref_squeeze %dma_start3A_286 : memref<1x!tpu.dma_semaphore, #tpu.memory_space<semaphore_mem>> -> memref<!tpu.dma_semaphore, #tpu.memory_space<semaphore_mem>>
        tpu.enqueue_indirect_dma source(%dma_start3A_285 : memref<10000x128xf32, #tpu.memory_space<hbm>>) target(%dma_start3A_279 : memref<80x128xf32, #tpu.memory_space<vmem>>) offsets(%dma_start3A_282 : memref<80xi32, #tpu.memory_space<vmem>>) semaphore(%dma_start3A_287 : memref<!tpu.dma_semaphore, #tpu.memory_space<semaphore_mem>>) {add = true}
      } else {
      }
      %jit3A_194 = arith.constant 6 : i32
      %eq3A_195 = arith.constant 0 : i32
      %eq3A_196 = arith.cmpi eq, %jit3A_194, %eq3A_195 : i32
      %jit3A_197 = arith.constant 1 : i32
      %select_n3A_198 = arith.select %eq3A_196, %jit3A_197, %jit3A_194 : i32
      %rem3A_199 = arith.remsi %scan3A_171, %select_n3A_198 : i32
      %ne3A_200 = arith.constant 0 : i32
      %ne3A_201 = arith.cmpi ne, %rem3A_199, %ne3A_200 : i32
      %lt3A_202 = arith.constant 0 : i32
      %lt3A_203 = arith.cmpi slt, %rem3A_199, %lt3A_202 : i32
      %lt3A_204 = arith.constant 0 : i32
      %lt3A_205 = arith.cmpi slt, %select_n3A_198, %lt3A_204 : i32
      %ne3A_206 = arith.xori %lt3A_203, %lt3A_205 : i1
      %and3A_207 = arith.andi %ne3A_206, %ne3A_201 : i1
      %add3A_208 = arith.addi %rem3A_199, %select_n3A_198 : i32
      %select_n3A_209 = arith.select %and3A_207, %add3A_208, %rem3A_199 : i32
      %dma_wait3A_210 = arith.constant 0 : i32
      %dma_wait3A_211 = arith.constant 0 : i32
      %dma_wait3A_212 = tpu.memref_slice %arg9[%select_n3A_209, %dma_wait3A_210, %dma_wait3A_211] : memref<6x80x128xf32, #tpu.memory_space<vmem>> -> memref<1x80x128xf32, #tpu.memory_space<vmem>>
      %dma_wait3A_213 = tpu.memref_squeeze %dma_wait3A_212 : memref<1x80x128xf32, #tpu.memory_space<vmem>> -> memref<80x128xf32, #tpu.memory_space<vmem>>
      %dma_wait3A_214 = arith.constant 0 : i32
      %dma_wait3A_215 = tpu.memref_slice %arg8[%scan3A_171, %dma_wait3A_214] : memref<125x80xi32, #tpu.memory_space<vmem>> -> memref<1x80xi32, #tpu.memory_space<vmem>>
      %dma_wait3A_216 = tpu.memref_squeeze %dma_wait3A_215 : memref<1x80xi32, #tpu.memory_space<vmem>> -> memref<80xi32, #tpu.memory_space<vmem>>
      %dma_wait3A_217 = arith.constant 0 : i32
      %dma_wait3A_218 = arith.constant 0 : i32
      %dma_wait3A_219 = tpu.memref_slice %arg2[%dma_wait3A_217, %dma_wait3A_218] : memref<10000x128xf32, #tpu.memory_space<hbm>> -> memref<10000x128xf32, #tpu.memory_space<hbm>>
      %dma_wait3A_220 = tpu.memref_slice %arg13[%select_n3A_209] : memref<6x!tpu.dma_semaphore, #tpu.memory_space<semaphore_mem>> -> memref<1x!tpu.dma_semaphore, #tpu.memory_space<semaphore_mem>>
      %dma_wait3A_221 = tpu.memref_squeeze %dma_wait3A_220 : memref<1x!tpu.dma_semaphore, #tpu.memory_space<semaphore_mem>> -> memref<!tpu.dma_semaphore, #tpu.memory_space<semaphore_mem>>
      tpu.wait_indirect_dma semaphore(%dma_wait3A_221 : memref<!tpu.dma_semaphore, #tpu.memory_space<semaphore_mem>>) src(%dma_wait3A_219 : memref<10000x128xf32, #tpu.memory_space<hbm>>) dst(%dma_wait3A_213 : memref<80x128xf32, #tpu.memory_space<vmem>>)
      %scan3A_222 = arith.constant 0 : i32
      %scan3A_223 = arith.constant 0 : i32
      %scan3A_224 = arith.constant 5 : i32
      %scan3A_225 = arith.addi %scan3A_223, %scan3A_224 : i32
      %scan3A_226 = arith.constant 1 : i32
      scf.for %scan3A_228 = %scan3A_223 to %scan3A_225 step %scan3A_226  : i32 {
        %mul3A_229 = arith.constant 16 : i32
        %mul3A_230 = arith.muli %scan3A_228, %mul3A_229 : i32
        %add3A_231 = vector.broadcast %mul3A_230 : i32 to vector<16xi32>
        %add3A_232 = arith.addi %add3A_231, %iota3A : vector<16xi32>
        %broadcast_in_dim3A = arith.constant 0.000000e+00 : f32
        %broadcast_in_dim3A_233 = vector.broadcast %broadcast_in_dim3A : f32 to vector<16xf32>
        %add3A_234 = arith.constant 0 : i32
        %add3A_235 = vector.broadcast %add3A_234 : i32 to vector<16xi32>
        %add3A_236 = arith.addi %iota3A, %add3A_235 : vector<16xi32>
        %add3A_237 = arith.constant 1 : i32
        %add3A_238 = vector.broadcast %add3A_237 : i32 to vector<16xi32>
        %add3A_239 = arith.addi %iota3A, %add3A_238 : vector<16xi32>
        %add3A_240 = arith.constant 2 : i32
        %add3A_241 = vector.broadcast %add3A_240 : i32 to vector<16xi32>
        %add3A_242 = arith.addi %iota3A, %add3A_241 : vector<16xi32>
        %add3A_243 = arith.constant 3 : i32
        %add3A_244 = vector.broadcast %add3A_243 : i32 to vector<16xi32>
        %add3A_245 = arith.addi %iota3A, %add3A_244 : vector<16xi32>
        %add3A_246 = arith.constant 4 : i32
        %add3A_247 = vector.broadcast %add3A_246 : i32 to vector<16xi32>
        %add3A_248 = arith.addi %iota3A, %add3A_247 : vector<16xi32>
        %add3A_249 = arith.constant 5 : i32
        %add3A_250 = vector.broadcast %add3A_249 : i32 to vector<16xi32>
        %add3A_251 = arith.addi %iota3A, %add3A_250 : vector<16xi32>
        %add3A_252 = arith.constant 6 : i32
        %add3A_253 = vector.broadcast %add3A_252 : i32 to vector<16xi32>
        %add3A_254 = arith.addi %iota3A, %add3A_253 : vector<16xi32>
        %add3A_255 = arith.constant 7 : i32
        %add3A_256 = vector.broadcast %add3A_255 : i32 to vector<16xi32>
        %add3A_257 = arith.addi %iota3A, %add3A_256 : vector<16xi32>
        %scan3A_258 = arith.constant 0 : i32
        %scan3A_259 = arith.constant 16 : i32
        %scan3A_260 = arith.addi %scan3A_258, %scan3A_259 : i32
        %scan3A_261 = arith.constant 4 : i32
        %scan3A_262:16 = scf.for %scan3A_299 = %scan3A_258 to %scan3A_260 step %scan3A_261 iter_args(%scan3A_300 = %broadcast_in_dim3A_233, %scan3A_301 = %broadcast_in_dim3A_233, %scan3A_302 = %broadcast_in_dim3A_233, %scan3A_303 = %broadcast_in_dim3A_233, %scan3A_304 = %broadcast_in_dim3A_233, %scan3A_305 = %broadcast_in_dim3A_233, %scan3A_306 = %broadcast_in_dim3A_233, %scan3A_307 = %broadcast_in_dim3A_233, %scan3A_308 = %add3A_236, %scan3A_309 = %add3A_239, %scan3A_310 = %add3A_242, %scan3A_311 = %add3A_245, %scan3A_312 = %add3A_248, %scan3A_313 = %add3A_251, %scan3A_314 = %add3A_254, %scan3A_315 = %add3A_257) -> (vector<16xf32>, vector<16xf32>, vector<16xf32>, vector<16xf32>, vector<16xf32>, vector<16xf32>, vector<16xf32>, vector<16xf32>, vector<16xi32>, vector<16xi32>, vector<16xi32>, vector<16xi32>, vector<16xi32>, vector<16xi32>, vector<16xi32>, vector<16xi32>)  : i32 {
          %gather3A_316 = arith.constant 0 : i32
          %gather3A_317 = arith.constant 0 : i32
          %gather3A_318 = tpu.memref_slice %arg9[%select_n3A_180, %gather3A_316, %gather3A_317] : memref<6x80x128xf32, #tpu.memory_space<vmem>> -> memref<1x80x128xf32, #tpu.memory_space<vmem>>
          %gather3A_319 = tpu.memref_squeeze %gather3A_318 : memref<1x80x128xf32, #tpu.memory_space<vmem>> -> memref<80x128xf32, #tpu.memory_space<vmem>>
          %gather3A_320 = tpu.vector_load_idx %gather3A_319[%add3A_232, %scan3A_308] : memref<80x128xf32, #tpu.memory_space<vmem>>[vector<16xi32>, vector<16xi32>], vector<16xf32>,
          %mul3A_321 = arith.mulf %gather3A_320, %gather3A_320 : vector<16xf32>
          %add3A_322 = arith.addf %scan3A_300, %mul3A_321 : vector<16xf32>
          %add3A_323 = arith.constant 8 : i32
          %add3A_324 = vector.broadcast %add3A_323 : i32 to vector<16xi32>
          %add3A_325 = arith.addi %scan3A_308, %add3A_324 : vector<16xi32>
          %and3A_326 = arith.constant 127 : i32
          %and3A_327 = vector.broadcast %and3A_326 : i32 to vector<16xi32>
          %and3A_328 = arith.andi %add3A_325, %and3A_327 : vector<16xi32>
          %gather3A_329 = arith.constant 0 : i32
          %gather3A_330 = arith.constant 0 : i32
          %gather3A_331 = tpu.memref_slice %arg9[%select_n3A_180, %gather3A_329, %gather3A_330] : memref<6x80x128xf32, #tpu.memory_space<vmem>> -> memref<1x80x128xf32, #tpu.memory_space<vmem>>
          %gather3A_332 = tpu.memref_squeeze %gather3A_331 : memref<1x80x128xf32, #tpu.memory_space<vmem>> -> memref<80x128xf32, #tpu.memory_space<vmem>>
          %gather3A_333 = tpu.vector_load_idx %gather3A_332[%add3A_232, %scan3A_309] : memref<80x128xf32, #tpu.memory_space<vmem>>[vector<16xi32>, vector<16xi32>], vector<16xf32>,
          %mul3A_334 = arith.mulf %gather3A_333, %gather3A_333 : vector<16xf32>
          %add3A_335 = arith.addf %scan3A_301, %mul3A_334 : vector<16xf32>
          %add3A_336 = arith.constant 8 : i32
          %add3A_337 = vector.broadcast %add3A_336 : i32 to vector<16xi32>
          %add3A_338 = arith.addi %scan3A_309, %add3A_337 : vector<16xi32>
          %and3A_339 = arith.constant 127 : i32
          %and3A_340 = vector.broadcast %and3A_339 : i32 to vector<16xi32>
          %and3A_341 = arith.andi %add3A_338, %and3A_340 : vector<16xi32>
          %gather3A_342 = arith.constant 0 : i32
          %gather3A_343 = arith.constant 0 : i32
          %gather3A_344 = tpu.memref_slice %arg9[%select_n3A_180, %gather3A_342, %gather3A_343] : memref<6x80x128xf32, #tpu.memory_space<vmem>> -> memref<1x80x128xf32, #tpu.memory_space<vmem>>
          %gather3A_345 = tpu.memref_squeeze %gather3A_344 : memref<1x80x128xf32, #tpu.memory_space<vmem>> -> memref<80x128xf32, #tpu.memory_space<vmem>>
          %gather3A_346 = tpu.vector_load_idx %gather3A_345[%add3A_232, %scan3A_310] : memref<80x128xf32, #tpu.memory_space<vmem>>[vector<16xi32>, vector<16xi32>], vector<16xf32>,
          %mul3A_347 = arith.mulf %gather3A_346, %gather3A_346 : vector<16xf32>
          %add3A_348 = arith.addf %scan3A_302, %mul3A_347 : vector<16xf32>
          %add3A_349 = arith.constant 8 : i32
          %add3A_350 = vector.broadcast %add3A_349 : i32 to vector<16xi32>
          %add3A_351 = arith.addi %scan3A_310, %add3A_350 : vector<16xi32>
          %and3A_352 = arith.constant 127 : i32
          %and3A_353 = vector.broadcast %and3A_352 : i32 to vector<16xi32>
          %and3A_354 = arith.andi %add3A_351, %and3A_353 : vector<16xi32>
          %gather3A_355 = arith.constant 0 : i32
          %gather3A_356 = arith.constant 0 : i32
          %gather3A_357 = tpu.memref_slice %arg9[%select_n3A_180, %gather3A_355, %gather3A_356] : memref<6x80x128xf32, #tpu.memory_space<vmem>> -> memref<1x80x128xf32, #tpu.memory_space<vmem>>
          %gather3A_358 = tpu.memref_squeeze %gather3A_357 : memref<1x80x128xf32, #tpu.memory_space<vmem>> -> memref<80x128xf32, #tpu.memory_space<vmem>>
          %gather3A_359 = tpu.vector_load_idx %gather3A_358[%add3A_232, %scan3A_311] : memref<80x128xf32, #tpu.memory_space<vmem>>[vector<16xi32>, vector<16xi32>], vector<16xf32>,
          %mul3A_360 = arith.mulf %gather3A_359, %gather3A_359 : vector<16xf32>
          %add3A_361 = arith.addf %scan3A_303, %mul3A_360 : vector<16xf32>
          %add3A_362 = arith.constant 8 : i32
          %add3A_363 = vector.broadcast %add3A_362 : i32 to vector<16xi32>
          %add3A_364 = arith.addi %scan3A_311, %add3A_363 : vector<16xi32>
          %and3A_365 = arith.constant 127 : i32
          %and3A_366 = vector.broadcast %and3A_365 : i32 to vector<16xi32>
          %and3A_367 = arith.andi %add3A_364, %and3A_366 : vector<16xi32>
          %gather3A_368 = arith.constant 0 : i32
          %gather3A_369 = arith.constant 0 : i32
          %gather3A_370 = tpu.memref_slice %arg9[%select_n3A_180, %gather3A_368, %gather3A_369] : memref<6x80x128xf32, #tpu.memory_space<vmem>> -> memref<1x80x128xf32, #tpu.memory_space<vmem>>
          %gather3A_371 = tpu.memref_squeeze %gather3A_370 : memref<1x80x128xf32, #tpu.memory_space<vmem>> -> memref<80x128xf32, #tpu.memory_space<vmem>>
          %gather3A_372 = tpu.vector_load_idx %gather3A_371[%add3A_232, %scan3A_312] : memref<80x128xf32, #tpu.memory_space<vmem>>[vector<16xi32>, vector<16xi32>], vector<16xf32>,
          %mul3A_373 = arith.mulf %gather3A_372, %gather3A_372 : vector<16xf32>
          %add3A_374 = arith.addf %scan3A_304, %mul3A_373 : vector<16xf32>
          %add3A_375 = arith.constant 8 : i32
          %add3A_376 = vector.broadcast %add3A_375 : i32 to vector<16xi32>
          %add3A_377 = arith.addi %scan3A_312, %add3A_376 : vector<16xi32>
          %and3A_378 = arith.constant 127 : i32
          %and3A_379 = vector.broadcast %and3A_378 : i32 to vector<16xi32>
          %and3A_380 = arith.andi %add3A_377, %and3A_379 : vector<16xi32>
          %gather3A_381 = arith.constant 0 : i32
          %gather3A_382 = arith.constant 0 : i32
          %gather3A_383 = tpu.memref_slice %arg9[%select_n3A_180, %gather3A_381, %gather3A_382] : memref<6x80x128xf32, #tpu.memory_space<vmem>> -> memref<1x80x128xf32, #tpu.memory_space<vmem>>
          %gather3A_384 = tpu.memref_squeeze %gather3A_383 : memref<1x80x128xf32, #tpu.memory_space<vmem>> -> memref<80x128xf32, #tpu.memory_space<vmem>>
          %gather3A_385 = tpu.vector_load_idx %gather3A_384[%add3A_232, %scan3A_313] : memref<80x128xf32, #tpu.memory_space<vmem>>[vector<16xi32>, vector<16xi32>], vector<16xf32>,
          %mul3A_386 = arith.mulf %gather3A_385, %gather3A_385 : vector<16xf32>
          %add3A_387 = arith.addf %scan3A_305, %mul3A_386 : vector<16xf32>
          %add3A_388 = arith.constant 8 : i32
          %add3A_389 = vector.broadcast %add3A_388 : i32 to vector<16xi32>
          %add3A_390 = arith.addi %scan3A_313, %add3A_389 : vector<16xi32>
          %and3A_391 = arith.constant 127 : i32
          %and3A_392 = vector.broadcast %and3A_391 : i32 to vector<16xi32>
          %and3A_393 = arith.andi %add3A_390, %and3A_392 : vector<16xi32>
          %gather3A_394 = arith.constant 0 : i32
          %gather3A_395 = arith.constant 0 : i32
          %gather3A_396 = tpu.memref_slice %arg9[%select_n3A_180, %gather3A_394, %gather3A_395] : memref<6x80x128xf32, #tpu.memory_space<vmem>> -> memref<1x80x128xf32, #tpu.memory_space<vmem>>
          %gather3A_397 = tpu.memref_squeeze %gather3A_396 : memref<1x80x128xf32, #tpu.memory_space<vmem>> -> memref<80x128xf32, #tpu.memory_space<vmem>>
          %gather3A_398 = tpu.vector_load_idx %gather3A_397[%add3A_232, %scan3A_314] : memref<80x128xf32, #tpu.memory_space<vmem>>[vector<16xi32>, vector<16xi32>], vector<16xf32>,
          %mul3A_399 = arith.mulf %gather3A_398, %gather3A_398 : vector<16xf32>
          %add3A_400 = arith.addf %scan3A_306, %mul3A_399 : vector<16xf32>
          %add3A_401 = arith.constant 8 : i32
          %add3A_402 = vector.broadcast %add3A_401 : i32 to vector<16xi32>
          %add3A_403 = arith.addi %scan3A_314, %add3A_402 : vector<16xi32>
          %and3A_404 = arith.constant 127 : i32
          %and3A_405 = vector.broadcast %and3A_404 : i32 to vector<16xi32>
          %and3A_406 = arith.andi %add3A_403, %and3A_405 : vector<16xi32>
          %gather3A_407 = arith.constant 0 : i32
          %gather3A_408 = arith.constant 0 : i32
          %gather3A_409 = tpu.memref_slice %arg9[%select_n3A_180, %gather3A_407, %gather3A_408] : memref<6x80x128xf32, #tpu.memory_space<vmem>> -> memref<1x80x128xf32, #tpu.memory_space<vmem>>
          %gather3A_410 = tpu.memref_squeeze %gather3A_409 : memref<1x80x128xf32, #tpu.memory_space<vmem>> -> memref<80x128xf32, #tpu.memory_space<vmem>>
          %gather3A_411 = tpu.vector_load_idx %gather3A_410[%add3A_232, %scan3A_315] : memref<80x128xf32, #tpu.memory_space<vmem>>[vector<16xi32>, vector<16xi32>], vector<16xf32>,
          %mul3A_412 = arith.mulf %gather3A_411, %gather3A_411 : vector<16xf32>
          %add3A_413 = arith.addf %scan3A_307, %mul3A_412 : vector<16xf32>
          %add3A_414 = arith.constant 8 : i32
          %add3A_415 = vector.broadcast %add3A_414 : i32 to vector<16xi32>
          %add3A_416 = arith.addi %scan3A_315, %add3A_415 : vector<16xi32>
          %and3A_417 = arith.constant 127 : i32
          %and3A_418 = vector.broadcast %and3A_417 : i32 to vector<16xi32>
          %and3A_419 = arith.andi %add3A_416, %and3A_418 : vector<16xi32>
          %scan3A_420 = arith.constant 1 : i32
          %scan3A_421 = arith.addi %scan3A_299, %scan3A_420 : i32
          %gather3A_422 = arith.constant 0 : i32
          %gather3A_423 = arith.constant 0 : i32
          %gather3A_424 = tpu.memref_slice %arg9[%select_n3A_180, %gather3A_422, %gather3A_423] : memref<6x80x128xf32, #tpu.memory_space<vmem>> -> memref<1x80x128xf32, #tpu.memory_space<vmem>>
          %gather3A_425 = tpu.memref_squeeze %gather3A_424 : memref<1x80x128xf32, #tpu.memory_space<vmem>> -> memref<80x128xf32, #tpu.memory_space<vmem>>
          %gather3A_426 = tpu.vector_load_idx %gather3A_425[%add3A_232, %and3A_328] : memref<80x128xf32, #tpu.memory_space<vmem>>[vector<16xi32>, vector<16xi32>], vector<16xf32>,
          %mul3A_427 = arith.mulf %gather3A_426, %gather3A_426 : vector<16xf32>
          %add3A_428 = arith.addf %add3A_322, %mul3A_427 : vector<16xf32>
          %add3A_429 = arith.constant 8 : i32
          %add3A_430 = vector.broadcast %add3A_429 : i32 to vector<16xi32>
          %add3A_431 = arith.addi %and3A_328, %add3A_430 : vector<16xi32>
          %and3A_432 = arith.constant 127 : i32
          %and3A_433 = vector.broadcast %and3A_432 : i32 to vector<16xi32>
          %and3A_434 = arith.andi %add3A_431, %and3A_433 : vector<16xi32>
          %gather3A_435 = arith.constant 0 : i32
          %gather3A_436 = arith.constant 0 : i32
          %gather3A_437 = tpu.memref_slice %arg9[%select_n3A_180, %gather3A_435, %gather3A_436] : memref<6x80x128xf32, #tpu.memory_space<vmem>> -> memref<1x80x128xf32, #tpu.memory_space<vmem>>
          %gather3A_438 = tpu.memref_squeeze %gather3A_437 : memref<1x80x128xf32, #tpu.memory_space<vmem>> -> memref<80x128xf32, #tpu.memory_space<vmem>>
          %gather3A_439 = tpu.vector_load_idx %gather3A_438[%add3A_232, %and3A_341] : memref<80x128xf32, #tpu.memory_space<vmem>>[vector<16xi32>, vector<16xi32>], vector<16xf32>,
          %mul3A_440 = arith.mulf %gather3A_439, %gather3A_439 : vector<16xf32>
          %add3A_441 = arith.addf %add3A_335, %mul3A_440 : vector<16xf32>
          %add3A_442 = arith.constant 8 : i32
          %add3A_443 = vector.broadcast %add3A_442 : i32 to vector<16xi32>
          %add3A_444 = arith.addi %and3A_341, %add3A_443 : vector<16xi32>
          %and3A_445 = arith.constant 127 : i32
          %and3A_446 = vector.broadcast %and3A_445 : i32 to vector<16xi32>
          %and3A_447 = arith.andi %add3A_444, %and3A_446 : vector<16xi32>
          %gather3A_448 = arith.constant 0 : i32
          %gather3A_449 = arith.constant 0 : i32
          %gather3A_450 = tpu.memref_slice %arg9[%select_n3A_180, %gather3A_448, %gather3A_449] : memref<6x80x128xf32, #tpu.memory_space<vmem>> -> memref<1x80x128xf32, #tpu.memory_space<vmem>>
          %gather3A_451 = tpu.memref_squeeze %gather3A_450 : memref<1x80x128xf32, #tpu.memory_space<vmem>> -> memref<80x128xf32, #tpu.memory_space<vmem>>
          %gather3A_452 = tpu.vector_load_idx %gather3A_451[%add3A_232, %and3A_354] : memref<80x128xf32, #tpu.memory_space<vmem>>[vector<16xi32>, vector<16xi32>], vector<16xf32>,
          %mul3A_453 = arith.mulf %gather3A_452, %gather3A_452 : vector<16xf32>
          %add3A_454 = arith.addf %add3A_348, %mul3A_453 : vector<16xf32>
          %add3A_455 = arith.constant 8 : i32
          %add3A_456 = vector.broadcast %add3A_455 : i32 to vector<16xi32>
          %add3A_457 = arith.addi %and3A_354, %add3A_456 : vector<16xi32>
          %and3A_458 = arith.constant 127 : i32
          %and3A_459 = vector.broadcast %and3A_458 : i32 to vector<16xi32>
          %and3A_460 = arith.andi %add3A_457, %and3A_459 : vector<16xi32>
          %gather3A_461 = arith.constant 0 : i32
          %gather3A_462 = arith.constant 0 : i32
          %gather3A_463 = tpu.memref_slice %arg9[%select_n3A_180, %gather3A_461, %gather3A_462] : memref<6x80x128xf32, #tpu.memory_space<vmem>> -> memref<1x80x128xf32, #tpu.memory_space<vmem>>
          %gather3A_464 = tpu.memref_squeeze %gather3A_463 : memref<1x80x128xf32, #tpu.memory_space<vmem>> -> memref<80x128xf32, #tpu.memory_space<vmem>>
          %gather3A_465 = tpu.vector_load_idx %gather3A_464[%add3A_232, %and3A_367] : memref<80x128xf32, #tpu.memory_space<vmem>>[vector<16xi32>, vector<16xi32>], vector<16xf32>,
          %mul3A_466 = arith.mulf %gather3A_465, %gather3A_465 : vector<16xf32>
          %add3A_467 = arith.addf %add3A_361, %mul3A_466 : vector<16xf32>
          %add3A_468 = arith.constant 8 : i32
          %add3A_469 = vector.broadcast %add3A_468 : i32 to vector<16xi32>
          %add3A_470 = arith.addi %and3A_367, %add3A_469 : vector<16xi32>
          %and3A_471 = arith.constant 127 : i32
          %and3A_472 = vector.broadcast %and3A_471 : i32 to vector<16xi32>
          %and3A_473 = arith.andi %add3A_470, %and3A_472 : vector<16xi32>
          %gather3A_474 = arith.constant 0 : i32
          %gather3A_475 = arith.constant 0 : i32
          %gather3A_476 = tpu.memref_slice %arg9[%select_n3A_180, %gather3A_474, %gather3A_475] : memref<6x80x128xf32, #tpu.memory_space<vmem>> -> memref<1x80x128xf32, #tpu.memory_space<vmem>>
          %gather3A_477 = tpu.memref_squeeze %gather3A_476 : memref<1x80x128xf32, #tpu.memory_space<vmem>> -> memref<80x128xf32, #tpu.memory_space<vmem>>
          %gather3A_478 = tpu.vector_load_idx %gather3A_477[%add3A_232, %and3A_380] : memref<80x128xf32, #tpu.memory_space<vmem>>[vector<16xi32>, vector<16xi32>], vector<16xf32>,
          %mul3A_479 = arith.mulf %gather3A_478, %gather3A_478 : vector<16xf32>
          %add3A_480 = arith.addf %add3A_374, %mul3A_479 : vector<16xf32>
          %add3A_481 = arith.constant 8 : i32
          %add3A_482 = vector.broadcast %add3A_481 : i32 to vector<16xi32>
          %add3A_483 = arith.addi %and3A_380, %add3A_482 : vector<16xi32>
          %and3A_484 = arith.constant 127 : i32
          %and3A_485 = vector.broadcast %and3A_484 : i32 to vector<16xi32>
          %and3A_486 = arith.andi %add3A_483, %and3A_485 : vector<16xi32>
          %gather3A_487 = arith.constant 0 : i32
          %gather3A_488 = arith.constant 0 : i32
          %gather3A_489 = tpu.memref_slice %arg9[%select_n3A_180, %gather3A_487, %gather3A_488] : memref<6x80x128xf32, #tpu.memory_space<vmem>> -> memref<1x80x128xf32, #tpu.memory_space<vmem>>
          %gather3A_490 = tpu.memref_squeeze %gather3A_489 : memref<1x80x128xf32, #tpu.memory_space<vmem>> -> memref<80x128xf32, #tpu.memory_space<vmem>>
          %gather3A_491 = tpu.vector_load_idx %gather3A_490[%add3A_232, %and3A_393] : memref<80x128xf32, #tpu.memory_space<vmem>>[vector<16xi32>, vector<16xi32>], vector<16xf32>,
          %mul3A_492 = arith.mulf %gather3A_491, %gather3A_491 : vector<16xf32>
          %add3A_493 = arith.addf %add3A_387, %mul3A_492 : vector<16xf32>
          %add3A_494 = arith.constant 8 : i32
          %add3A_495 = vector.broadcast %add3A_494 : i32 to vector<16xi32>
          %add3A_496 = arith.addi %and3A_393, %add3A_495 : vector<16xi32>
          %and3A_497 = arith.constant 127 : i32
          %and3A_498 = vector.broadcast %and3A_497 : i32 to vector<16xi32>
          %and3A_499 = arith.andi %add3A_496, %and3A_498 : vector<16xi32>
          %gather3A_500 = arith.constant 0 : i32
          %gather3A_501 = arith.constant 0 : i32
          %gather3A_502 = tpu.memref_slice %arg9[%select_n3A_180, %gather3A_500, %gather3A_501] : memref<6x80x128xf32, #tpu.memory_space<vmem>> -> memref<1x80x128xf32, #tpu.memory_space<vmem>>
          %gather3A_503 = tpu.memref_squeeze %gather3A_502 : memref<1x80x128xf32, #tpu.memory_space<vmem>> -> memref<80x128xf32, #tpu.memory_space<vmem>>
          %gather3A_504 = tpu.vector_load_idx %gather3A_503[%add3A_232, %and3A_406] : memref<80x128xf32, #tpu.memory_space<vmem>>[vector<16xi32>, vector<16xi32>], vector<16xf32>,
          %mul3A_505 = arith.mulf %gather3A_504, %gather3A_504 : vector<16xf32>
          %add3A_506 = arith.addf %add3A_400, %mul3A_505 : vector<16xf32>
          %add3A_507 = arith.constant 8 : i32
          %add3A_508 = vector.broadcast %add3A_507 : i32 to vector<16xi32>
          %add3A_509 = arith.addi %and3A_406, %add3A_508 : vector<16xi32>
          %and3A_510 = arith.constant 127 : i32
          %and3A_511 = vector.broadcast %and3A_510 : i32 to vector<16xi32>
          %and3A_512 = arith.andi %add3A_509, %and3A_511 : vector<16xi32>
          %gather3A_513 = arith.constant 0 : i32
          %gather3A_514 = arith.constant 0 : i32
          %gather3A_515 = tpu.memref_slice %arg9[%select_n3A_180, %gather3A_513, %gather3A_514] : memref<6x80x128xf32, #tpu.memory_space<vmem>> -> memref<1x80x128xf32, #tpu.memory_space<vmem>>
          %gather3A_516 = tpu.memref_squeeze %gather3A_515 : memref<1x80x128xf32, #tpu.memory_space<vmem>> -> memref<80x128xf32, #tpu.memory_space<vmem>>
          %gather3A_517 = tpu.vector_load_idx %gather3A_516[%add3A_232, %and3A_419] : memref<80x128xf32, #tpu.memory_space<vmem>>[vector<16xi32>, vector<16xi32>], vector<16xf32>,
          %mul3A_518 = arith.mulf %gather3A_517, %gather3A_517 : vector<16xf32>
          %add3A_519 = arith.addf %add3A_413, %mul3A_518 : vector<16xf32>
          %add3A_520 = arith.constant 8 : i32
          %add3A_521 = vector.broadcast %add3A_520 : i32 to vector<16xi32>
          %add3A_522 = arith.addi %and3A_419, %add3A_521 : vector<16xi32>
          %and3A_523 = arith.constant 127 : i32
          %and3A_524 = vector.broadcast %and3A_523 : i32 to vector<16xi32>
          %and3A_525 = arith.andi %add3A_522, %and3A_524 : vector<16xi32>
          %scan3A_526 = arith.constant 2 : i32
          %scan3A_527 = arith.addi %scan3A_299, %scan3A_526 : i32
          %gather3A_528 = arith.constant 0 : i32
          %gather3A_529 = arith.constant 0 : i32
          %gather3A_530 = tpu.memref_slice %arg9[%select_n3A_180, %gather3A_528, %gather3A_529] : memref<6x80x128xf32, #tpu.memory_space<vmem>> -> memref<1x80x128xf32, #tpu.memory_space<vmem>>
          %gather3A_531 = tpu.memref_squeeze %gather3A_530 : memref<1x80x128xf32, #tpu.memory_space<vmem>> -> memref<80x128xf32, #tpu.memory_space<vmem>>
          %gather3A_532 = tpu.vector_load_idx %gather3A_531[%add3A_232, %and3A_434] : memref<80x128xf32, #tpu.memory_space<vmem>>[vector<16xi32>, vector<16xi32>], vector<16xf32>,
          %mul3A_533 = arith.mulf %gather3A_532, %gather3A_532 : vector<16xf32>
          %add3A_534 = arith.addf %add3A_428, %mul3A_533 : vector<16xf32>
          %add3A_535 = arith.constant 8 : i32
          %add3A_536 = vector.broadcast %add3A_535 : i32 to vector<16xi32>
          %add3A_537 = arith.addi %and3A_434, %add3A_536 : vector<16xi32>
          %and3A_538 = arith.constant 127 : i32
          %and3A_539 = vector.broadcast %and3A_538 : i32 to vector<16xi32>
          %and3A_540 = arith.andi %add3A_537, %and3A_539 : vector<16xi32>
          %gather3A_541 = arith.constant 0 : i32
          %gather3A_542 = arith.constant 0 : i32
          %gather3A_543 = tpu.memref_slice %arg9[%select_n3A_180, %gather3A_541, %gather3A_542] : memref<6x80x128xf32, #tpu.memory_space<vmem>> -> memref<1x80x128xf32, #tpu.memory_space<vmem>>
          %gather3A_544 = tpu.memref_squeeze %gather3A_543 : memref<1x80x128xf32, #tpu.memory_space<vmem>> -> memref<80x128xf32, #tpu.memory_space<vmem>>
          %gather3A_545 = tpu.vector_load_idx %gather3A_544[%add3A_232, %and3A_447] : memref<80x128xf32, #tpu.memory_space<vmem>>[vector<16xi32>, vector<16xi32>], vector<16xf32>,
          %mul3A_546 = arith.mulf %gather3A_545, %gather3A_545 : vector<16xf32>
          %add3A_547 = arith.addf %add3A_441, %mul3A_546 : vector<16xf32>
          %add3A_548 = arith.constant 8 : i32
          %add3A_549 = vector.broadcast %add3A_548 : i32 to vector<16xi32>
          %add3A_550 = arith.addi %and3A_447, %add3A_549 : vector<16xi32>
          %and3A_551 = arith.constant 127 : i32
          %and3A_552 = vector.broadcast %and3A_551 : i32 to vector<16xi32>
          %and3A_553 = arith.andi %add3A_550, %and3A_552 : vector<16xi32>
          %gather3A_554 = arith.constant 0 : i32
          %gather3A_555 = arith.constant 0 : i32
          %gather3A_556 = tpu.memref_slice %arg9[%select_n3A_180, %gather3A_554, %gather3A_555] : memref<6x80x128xf32, #tpu.memory_space<vmem>> -> memref<1x80x128xf32, #tpu.memory_space<vmem>>
          %gather3A_557 = tpu.memref_squeeze %gather3A_556 : memref<1x80x128xf32, #tpu.memory_space<vmem>> -> memref<80x128xf32, #tpu.memory_space<vmem>>
          %gather3A_558 = tpu.vector_load_idx %gather3A_557[%add3A_232, %and3A_460] : memref<80x128xf32, #tpu.memory_space<vmem>>[vector<16xi32>, vector<16xi32>], vector<16xf32>,
          %mul3A_559 = arith.mulf %gather3A_558, %gather3A_558 : vector<16xf32>
          %add3A_560 = arith.addf %add3A_454, %mul3A_559 : vector<16xf32>
          %add3A_561 = arith.constant 8 : i32
          %add3A_562 = vector.broadcast %add3A_561 : i32 to vector<16xi32>
          %add3A_563 = arith.addi %and3A_460, %add3A_562 : vector<16xi32>
          %and3A_564 = arith.constant 127 : i32
          %and3A_565 = vector.broadcast %and3A_564 : i32 to vector<16xi32>
          %and3A_566 = arith.andi %add3A_563, %and3A_565 : vector<16xi32>
          %gather3A_567 = arith.constant 0 : i32
          %gather3A_568 = arith.constant 0 : i32
          %gather3A_569 = tpu.memref_slice %arg9[%select_n3A_180, %gather3A_567, %gather3A_568] : memref<6x80x128xf32, #tpu.memory_space<vmem>> -> memref<1x80x128xf32, #tpu.memory_space<vmem>>
          %gather3A_570 = tpu.memref_squeeze %gather3A_569 : memref<1x80x128xf32, #tpu.memory_space<vmem>> -> memref<80x128xf32, #tpu.memory_space<vmem>>
          %gather3A_571 = tpu.vector_load_idx %gather3A_570[%add3A_232, %and3A_473] : memref<80x128xf32, #tpu.memory_space<vmem>>[vector<16xi32>, vector<16xi32>], vector<16xf32>,
          %mul3A_572 = arith.mulf %gather3A_571, %gather3A_571 : vector<16xf32>
          %add3A_573 = arith.addf %add3A_467, %mul3A_572 : vector<16xf32>
          %add3A_574 = arith.constant 8 : i32
          %add3A_575 = vector.broadcast %add3A_574 : i32 to vector<16xi32>
          %add3A_576 = arith.addi %and3A_473, %add3A_575 : vector<16xi32>
          %and3A_577 = arith.constant 127 : i32
          %and3A_578 = vector.broadcast %and3A_577 : i32 to vector<16xi32>
          %and3A_579 = arith.andi %add3A_576, %and3A_578 : vector<16xi32>
          %gather3A_580 = arith.constant 0 : i32
          %gather3A_581 = arith.constant 0 : i32
          %gather3A_582 = tpu.memref_slice %arg9[%select_n3A_180, %gather3A_580, %gather3A_581] : memref<6x80x128xf32, #tpu.memory_space<vmem>> -> memref<1x80x128xf32, #tpu.memory_space<vmem>>
          %gather3A_583 = tpu.memref_squeeze %gather3A_582 : memref<1x80x128xf32, #tpu.memory_space<vmem>> -> memref<80x128xf32, #tpu.memory_space<vmem>>
          %gather3A_584 = tpu.vector_load_idx %gather3A_583[%add3A_232, %and3A_486] : memref<80x128xf32, #tpu.memory_space<vmem>>[vector<16xi32>, vector<16xi32>], vector<16xf32>,
          %mul3A_585 = arith.mulf %gather3A_584, %gather3A_584 : vector<16xf32>
          %add3A_586 = arith.addf %add3A_480, %mul3A_585 : vector<16xf32>
          %add3A_587 = arith.constant 8 : i32
          %add3A_588 = vector.broadcast %add3A_587 : i32 to vector<16xi32>
          %add3A_589 = arith.addi %and3A_486, %add3A_588 : vector<16xi32>
          %and3A_590 = arith.constant 127 : i32
          %and3A_591 = vector.broadcast %and3A_590 : i32 to vector<16xi32>
          %and3A_592 = arith.andi %add3A_589, %and3A_591 : vector<16xi32>
          %gather3A_593 = arith.constant 0 : i32
          %gather3A_594 = arith.constant 0 : i32
          %gather3A_595 = tpu.memref_slice %arg9[%select_n3A_180, %gather3A_593, %gather3A_594] : memref<6x80x128xf32, #tpu.memory_space<vmem>> -> memref<1x80x128xf32, #tpu.memory_space<vmem>>
          %gather3A_596 = tpu.memref_squeeze %gather3A_595 : memref<1x80x128xf32, #tpu.memory_space<vmem>> -> memref<80x128xf32, #tpu.memory_space<vmem>>
          %gather3A_597 = tpu.vector_load_idx %gather3A_596[%add3A_232, %and3A_499] : memref<80x128xf32, #tpu.memory_space<vmem>>[vector<16xi32>, vector<16xi32>], vector<16xf32>,
          %mul3A_598 = arith.mulf %gather3A_597, %gather3A_597 : vector<16xf32>
          %add3A_599 = arith.addf %add3A_493, %mul3A_598 : vector<16xf32>
          %add3A_600 = arith.constant 8 : i32
          %add3A_601 = vector.broadcast %add3A_600 : i32 to vector<16xi32>
          %add3A_602 = arith.addi %and3A_499, %add3A_601 : vector<16xi32>
          %and3A_603 = arith.constant 127 : i32
          %and3A_604 = vector.broadcast %and3A_603 : i32 to vector<16xi32>
          %and3A_605 = arith.andi %add3A_602, %and3A_604 : vector<16xi32>
          %gather3A_606 = arith.constant 0 : i32
          %gather3A_607 = arith.constant 0 : i32
          %gather3A_608 = tpu.memref_slice %arg9[%select_n3A_180, %gather3A_606, %gather3A_607] : memref<6x80x128xf32, #tpu.memory_space<vmem>> -> memref<1x80x128xf32, #tpu.memory_space<vmem>>
          %gather3A_609 = tpu.memref_squeeze %gather3A_608 : memref<1x80x128xf32, #tpu.memory_space<vmem>> -> memref<80x128xf32, #tpu.memory_space<vmem>>
          %gather3A_610 = tpu.vector_load_idx %gather3A_609[%add3A_232, %and3A_512] : memref<80x128xf32, #tpu.memory_space<vmem>>[vector<16xi32>, vector<16xi32>], vector<16xf32>,
          %mul3A_611 = arith.mulf %gather3A_610, %gather3A_610 : vector<16xf32>
          %add3A_612 = arith.addf %add3A_506, %mul3A_611 : vector<16xf32>
          %add3A_613 = arith.constant 8 : i32
          %add3A_614 = vector.broadcast %add3A_613 : i32 to vector<16xi32>
          %add3A_615 = arith.addi %and3A_512, %add3A_614 : vector<16xi32>
          %and3A_616 = arith.constant 127 : i32
          %and3A_617 = vector.broadcast %and3A_616 : i32 to vector<16xi32>
          %and3A_618 = arith.andi %add3A_615, %and3A_617 : vector<16xi32>
          %gather3A_619 = arith.constant 0 : i32
          %gather3A_620 = arith.constant 0 : i32
          %gather3A_621 = tpu.memref_slice %arg9[%select_n3A_180, %gather3A_619, %gather3A_620] : memref<6x80x128xf32, #tpu.memory_space<vmem>> -> memref<1x80x128xf32, #tpu.memory_space<vmem>>
          %gather3A_622 = tpu.memref_squeeze %gather3A_621 : memref<1x80x128xf32, #tpu.memory_space<vmem>> -> memref<80x128xf32, #tpu.memory_space<vmem>>
          %gather3A_623 = tpu.vector_load_idx %gather3A_622[%add3A_232, %and3A_525] : memref<80x128xf32, #tpu.memory_space<vmem>>[vector<16xi32>, vector<16xi32>], vector<16xf32>,
          %mul3A_624 = arith.mulf %gather3A_623, %gather3A_623 : vector<16xf32>
          %add3A_625 = arith.addf %add3A_519, %mul3A_624 : vector<16xf32>
          %add3A_626 = arith.constant 8 : i32
          %add3A_627 = vector.broadcast %add3A_626 : i32 to vector<16xi32>
          %add3A_628 = arith.addi %and3A_525, %add3A_627 : vector<16xi32>
          %and3A_629 = arith.constant 127 : i32
          %and3A_630 = vector.broadcast %and3A_629 : i32 to vector<16xi32>
          %and3A_631 = arith.andi %add3A_628, %and3A_630 : vector<16xi32>
          %scan3A_632 = arith.constant 3 : i32
          %scan3A_633 = arith.addi %scan3A_299, %scan3A_632 : i32
          %gather3A_634 = arith.constant 0 : i32
          %gather3A_635 = arith.constant 0 : i32
          %gather3A_636 = tpu.memref_slice %arg9[%select_n3A_180, %gather3A_634, %gather3A_635] : memref<6x80x128xf32, #tpu.memory_space<vmem>> -> memref<1x80x128xf32, #tpu.memory_space<vmem>>
          %gather3A_637 = tpu.memref_squeeze %gather3A_636 : memref<1x80x128xf32, #tpu.memory_space<vmem>> -> memref<80x128xf32, #tpu.memory_space<vmem>>
          %gather3A_638 = tpu.vector_load_idx %gather3A_637[%add3A_232, %and3A_540] : memref<80x128xf32, #tpu.memory_space<vmem>>[vector<16xi32>, vector<16xi32>], vector<16xf32>,
          %mul3A_639 = arith.mulf %gather3A_638, %gather3A_638 : vector<16xf32>
          %add3A_640 = arith.addf %add3A_534, %mul3A_639 : vector<16xf32>
          %add3A_641 = arith.constant 8 : i32
          %add3A_642 = vector.broadcast %add3A_641 : i32 to vector<16xi32>
          %add3A_643 = arith.addi %and3A_540, %add3A_642 : vector<16xi32>
          %and3A_644 = arith.constant 127 : i32
          %and3A_645 = vector.broadcast %and3A_644 : i32 to vector<16xi32>
          %and3A_646 = arith.andi %add3A_643, %and3A_645 : vector<16xi32>
          %gather3A_647 = arith.constant 0 : i32
          %gather3A_648 = arith.constant 0 : i32
          %gather3A_649 = tpu.memref_slice %arg9[%select_n3A_180, %gather3A_647, %gather3A_648] : memref<6x80x128xf32, #tpu.memory_space<vmem>> -> memref<1x80x128xf32, #tpu.memory_space<vmem>>
          %gather3A_650 = tpu.memref_squeeze %gather3A_649 : memref<1x80x128xf32, #tpu.memory_space<vmem>> -> memref<80x128xf32, #tpu.memory_space<vmem>>
          %gather3A_651 = tpu.vector_load_idx %gather3A_650[%add3A_232, %and3A_553] : memref<80x128xf32, #tpu.memory_space<vmem>>[vector<16xi32>, vector<16xi32>], vector<16xf32>,
          %mul3A_652 = arith.mulf %gather3A_651, %gather3A_651 : vector<16xf32>
          %add3A_653 = arith.addf %add3A_547, %mul3A_652 : vector<16xf32>
          %add3A_654 = arith.constant 8 : i32
          %add3A_655 = vector.broadcast %add3A_654 : i32 to vector<16xi32>
          %add3A_656 = arith.addi %and3A_553, %add3A_655 : vector<16xi32>
          %and3A_657 = arith.constant 127 : i32
          %and3A_658 = vector.broadcast %and3A_657 : i32 to vector<16xi32>
          %and3A_659 = arith.andi %add3A_656, %and3A_658 : vector<16xi32>
          %gather3A_660 = arith.constant 0 : i32
          %gather3A_661 = arith.constant 0 : i32
          %gather3A_662 = tpu.memref_slice %arg9[%select_n3A_180, %gather3A_660, %gather3A_661] : memref<6x80x128xf32, #tpu.memory_space<vmem>> -> memref<1x80x128xf32, #tpu.memory_space<vmem>>
          %gather3A_663 = tpu.memref_squeeze %gather3A_662 : memref<1x80x128xf32, #tpu.memory_space<vmem>> -> memref<80x128xf32, #tpu.memory_space<vmem>>
          %gather3A_664 = tpu.vector_load_idx %gather3A_663[%add3A_232, %and3A_566] : memref<80x128xf32, #tpu.memory_space<vmem>>[vector<16xi32>, vector<16xi32>], vector<16xf32>,
          %mul3A_665 = arith.mulf %gather3A_664, %gather3A_664 : vector<16xf32>
          %add3A_666 = arith.addf %add3A_560, %mul3A_665 : vector<16xf32>
          %add3A_667 = arith.constant 8 : i32
          %add3A_668 = vector.broadcast %add3A_667 : i32 to vector<16xi32>
          %add3A_669 = arith.addi %and3A_566, %add3A_668 : vector<16xi32>
          %and3A_670 = arith.constant 127 : i32
          %and3A_671 = vector.broadcast %and3A_670 : i32 to vector<16xi32>
          %and3A_672 = arith.andi %add3A_669, %and3A_671 : vector<16xi32>
          %gather3A_673 = arith.constant 0 : i32
          %gather3A_674 = arith.constant 0 : i32
          %gather3A_675 = tpu.memref_slice %arg9[%select_n3A_180, %gather3A_673, %gather3A_674] : memref<6x80x128xf32, #tpu.memory_space<vmem>> -> memref<1x80x128xf32, #tpu.memory_space<vmem>>
          %gather3A_676 = tpu.memref_squeeze %gather3A_675 : memref<1x80x128xf32, #tpu.memory_space<vmem>> -> memref<80x128xf32, #tpu.memory_space<vmem>>
          %gather3A_677 = tpu.vector_load_idx %gather3A_676[%add3A_232, %and3A_579] : memref<80x128xf32, #tpu.memory_space<vmem>>[vector<16xi32>, vector<16xi32>], vector<16xf32>,
          %mul3A_678 = arith.mulf %gather3A_677, %gather3A_677 : vector<16xf32>
          %add3A_679 = arith.addf %add3A_573, %mul3A_678 : vector<16xf32>
          %add3A_680 = arith.constant 8 : i32
          %add3A_681 = vector.broadcast %add3A_680 : i32 to vector<16xi32>
          %add3A_682 = arith.addi %and3A_579, %add3A_681 : vector<16xi32>
          %and3A_683 = arith.constant 127 : i32
          %and3A_684 = vector.broadcast %and3A_683 : i32 to vector<16xi32>
          %and3A_685 = arith.andi %add3A_682, %and3A_684 : vector<16xi32>
          %gather3A_686 = arith.constant 0 : i32
          %gather3A_687 = arith.constant 0 : i32
          %gather3A_688 = tpu.memref_slice %arg9[%select_n3A_180, %gather3A_686, %gather3A_687] : memref<6x80x128xf32, #tpu.memory_space<vmem>> -> memref<1x80x128xf32, #tpu.memory_space<vmem>>
          %gather3A_689 = tpu.memref_squeeze %gather3A_688 : memref<1x80x128xf32, #tpu.memory_space<vmem>> -> memref<80x128xf32, #tpu.memory_space<vmem>>
          %gather3A_690 = tpu.vector_load_idx %gather3A_689[%add3A_232, %and3A_592] : memref<80x128xf32, #tpu.memory_space<vmem>>[vector<16xi32>, vector<16xi32>], vector<16xf32>,
          %mul3A_691 = arith.mulf %gather3A_690, %gather3A_690 : vector<16xf32>
          %add3A_692 = arith.addf %add3A_586, %mul3A_691 : vector<16xf32>
          %add3A_693 = arith.constant 8 : i32
          %add3A_694 = vector.broadcast %add3A_693 : i32 to vector<16xi32>
          %add3A_695 = arith.addi %and3A_592, %add3A_694 : vector<16xi32>
          %and3A_696 = arith.constant 127 : i32
          %and3A_697 = vector.broadcast %and3A_696 : i32 to vector<16xi32>
          %and3A_698 = arith.andi %add3A_695, %and3A_697 : vector<16xi32>
          %gather3A_699 = arith.constant 0 : i32
          %gather3A_700 = arith.constant 0 : i32
          %gather3A_701 = tpu.memref_slice %arg9[%select_n3A_180, %gather3A_699, %gather3A_700] : memref<6x80x128xf32, #tpu.memory_space<vmem>> -> memref<1x80x128xf32, #tpu.memory_space<vmem>>
          %gather3A_702 = tpu.memref_squeeze %gather3A_701 : memref<1x80x128xf32, #tpu.memory_space<vmem>> -> memref<80x128xf32, #tpu.memory_space<vmem>>
          %gather3A_703 = tpu.vector_load_idx %gather3A_702[%add3A_232, %and3A_605] : memref<80x128xf32, #tpu.memory_space<vmem>>[vector<16xi32>, vector<16xi32>], vector<16xf32>,
          %mul3A_704 = arith.mulf %gather3A_703, %gather3A_703 : vector<16xf32>
          %add3A_705 = arith.addf %add3A_599, %mul3A_704 : vector<16xf32>
          %add3A_706 = arith.constant 8 : i32
          %add3A_707 = vector.broadcast %add3A_706 : i32 to vector<16xi32>
          %add3A_708 = arith.addi %and3A_605, %add3A_707 : vector<16xi32>
          %and3A_709 = arith.constant 127 : i32
          %and3A_710 = vector.broadcast %and3A_709 : i32 to vector<16xi32>
          %and3A_711 = arith.andi %add3A_708, %and3A_710 : vector<16xi32>
          %gather3A_712 = arith.constant 0 : i32
          %gather3A_713 = arith.constant 0 : i32
          %gather3A_714 = tpu.memref_slice %arg9[%select_n3A_180, %gather3A_712, %gather3A_713] : memref<6x80x128xf32, #tpu.memory_space<vmem>> -> memref<1x80x128xf32, #tpu.memory_space<vmem>>
          %gather3A_715 = tpu.memref_squeeze %gather3A_714 : memref<1x80x128xf32, #tpu.memory_space<vmem>> -> memref<80x128xf32, #tpu.memory_space<vmem>>
          %gather3A_716 = tpu.vector_load_idx %gather3A_715[%add3A_232, %and3A_618] : memref<80x128xf32, #tpu.memory_space<vmem>>[vector<16xi32>, vector<16xi32>], vector<16xf32>,
          %mul3A_717 = arith.mulf %gather3A_716, %gather3A_716 : vector<16xf32>
          %add3A_718 = arith.addf %add3A_612, %mul3A_717 : vector<16xf32>
          %add3A_719 = arith.constant 8 : i32
          %add3A_720 = vector.broadcast %add3A_719 : i32 to vector<16xi32>
          %add3A_721 = arith.addi %and3A_618, %add3A_720 : vector<16xi32>
          %and3A_722 = arith.constant 127 : i32
          %and3A_723 = vector.broadcast %and3A_722 : i32 to vector<16xi32>
          %and3A_724 = arith.andi %add3A_721, %and3A_723 : vector<16xi32>
          %gather3A_725 = arith.constant 0 : i32
          %gather3A_726 = arith.constant 0 : i32
          %gather3A_727 = tpu.memref_slice %arg9[%select_n3A_180, %gather3A_725, %gather3A_726] : memref<6x80x128xf32, #tpu.memory_space<vmem>> -> memref<1x80x128xf32, #tpu.memory_space<vmem>>
          %gather3A_728 = tpu.memref_squeeze %gather3A_727 : memref<1x80x128xf32, #tpu.memory_space<vmem>> -> memref<80x128xf32, #tpu.memory_space<vmem>>
          %gather3A_729 = tpu.vector_load_idx %gather3A_728[%add3A_232, %and3A_631] : memref<80x128xf32, #tpu.memory_space<vmem>>[vector<16xi32>, vector<16xi32>], vector<16xf32>,
          %mul3A_730 = arith.mulf %gather3A_729, %gather3A_729 : vector<16xf32>
          %add3A_731 = arith.addf %add3A_625, %mul3A_730 : vector<16xf32>
          %add3A_732 = arith.constant 8 : i32
          %add3A_733 = vector.broadcast %add3A_732 : i32 to vector<16xi32>
          %add3A_734 = arith.addi %and3A_631, %add3A_733 : vector<16xi32>
          %and3A_735 = arith.constant 127 : i32
          %and3A_736 = vector.broadcast %and3A_735 : i32 to vector<16xi32>
          %and3A_737 = arith.andi %add3A_734, %and3A_736 : vector<16xi32>
          scf.yield %add3A_640, %add3A_653, %add3A_666, %add3A_679, %add3A_692, %add3A_705, %add3A_718, %add3A_731, %and3A_646, %and3A_659, %and3A_672, %and3A_685, %and3A_698, %and3A_711, %and3A_724, %and3A_737 : vector<16xf32>, vector<16xf32>, vector<16xf32>, vector<16xf32>, vector<16xf32>, vector<16xf32>, vector<16xf32>, vector<16xf32>, vector<16xi32>, vector<16xi32>, vector<16xi32>, vector<16xi32>, vector<16xi32>, vector<16xi32>, vector<16xi32>, vector<16xi32>
        }
        %scan3A_263 = arith.constant 16 : i32
        %add3A_264 = arith.addf %scan3A_262#0, %scan3A_262#1 : vector<16xf32>
        %add3A_265 = arith.addf %scan3A_262#2, %scan3A_262#3 : vector<16xf32>
        %add3A_266 = arith.addf %scan3A_262#4, %scan3A_262#5 : vector<16xf32>
        %add3A_267 = arith.addf %scan3A_262#6, %scan3A_262#7 : vector<16xf32>
        %add3A_268 = arith.addf %add3A_264, %add3A_265 : vector<16xf32>
        %add3A_269 = arith.addf %add3A_266, %add3A_267 : vector<16xf32>
        %add3A_270 = arith.addf %add3A_268, %add3A_269 : vector<16xf32>
        %mul3A_271 = arith.constant 16 : i32
        %mul3A_272 = arith.muli %scan3A_228, %mul3A_271 : i32
        %get3A = arith.index_cast %scan3A_171 : i32 to index
        %get3A_273 = arith.index_cast %mul3A_272 : i32 to index
        %get3A_274 = tpu.vector_load %arg7[%get3A, %get3A_273] {strides = array<i32>} : memref<125x80xi32, #tpu.memory_space<vmem>>, vector<16xi32>,
        %mul3A_275 = arith.constant 16 : i32
        %mul3A_276 = arith.muli %scan3A_228, %mul3A_275 : i32
        %get3A_277 = arith.index_cast %scan3A_171 : i32 to index
        %get3A_278 = arith.index_cast %mul3A_276 : i32 to index
        %get3A_279 = tpu.vector_load %arg8[%get3A_277, %get3A_278] {strides = array<i32>} : memref<125x80xi32, #tpu.memory_space<vmem>>, vector<16xi32>,
        %gather3A = tpu.vector_load_idx %arg10[%get3A_274] : memref<10000xf32, #tpu.memory_space<vmem>>[vector<16xi32>], vector<16xf32>,
        %gather3A_280 = tpu.vector_load_idx %arg10[%get3A_279] : memref<10000xf32, #tpu.memory_space<vmem>>[vector<16xi32>], vector<16xf32>,
        %add3A_281 = arith.addf %gather3A, %gather3A_280 : vector<16xf32>
        %sub3A_282 = arith.subf %add3A_270, %add3A_281 : vector<16xf32>
        %mul3A_283 = arith.constant 5.000000e-01 : f32
        %mul3A_284 = vector.broadcast %mul3A_283 : f32 to vector<16xf32>
        %mul3A_285 = arith.mulf %sub3A_282, %mul3A_284 : vector<16xf32>
        %neg3A = arith.constant 0.000000e+00 : f32
        %neg3A_286 = vector.broadcast %neg3A : f32 to vector<16xf32>
        %neg3A_287 = arith.subf %neg3A_286, %mul3A_285 : vector<16xf32>
        %exp3A = math.exp %neg3A_287 : vector<16xf32>
        %add3A_288 = arith.constant 1.000000e+00 : f32
        %add3A_289 = vector.broadcast %add3A_288 : f32 to vector<16xf32>
        %add3A_290 = arith.addf %add3A_289, %exp3A : vector<16xf32>
        %div3A = arith.constant 1.000000e+00 : f32
        %div3A_291 = vector.broadcast %div3A : f32 to vector<16xf32>
        %div3A_292 = arith.divf %div3A_291, %add3A_290 : vector<16xf32>
        %mul3A_293 = arith.constant 80 : i32
        %mul3A_294 = arith.muli %scan3A_171, %mul3A_293 : i32
        %mul3A_295 = arith.constant 16 : i32
        %mul3A_296 = arith.muli %scan3A_228, %mul3A_295 : i32
        %add3A_297 = arith.addi %mul3A_294, %mul3A_296 : i32
        %swap3A = arith.index_cast %add3A_297 : i32 to index
        %swap3A_298 = tpu.vector_load %arg11[%swap3A] {strides = array<i32>} : memref<10000xf32, #tpu.memory_space<vmem>>, vector<16xf32>,
        tpu.vector_store %arg11[%swap3A], %div3A_292 {strides = array<i32>} : memref<10000xf32, #tpu.memory_space<vmem>>, vector<16xf32>,
      }
      %scan3A_227 = arith.constant 5 : i32
    }
    %scan3A_168 = arith.constant 125 : i32
    %mul3A_169 = arith.constant 10000 : i32
    %mul3A_170 = arith.muli %add3A, %mul3A_169 : i32
    "tpu.region"() ({
      %run_scoped3A = tpu.sem_alloc : memref<!tpu.dma_semaphore, #tpu.memory_space<semaphore_mem>>
      %dma_start3A_171 = tpu.memref_slice %arg6[%mul3A_170] : memref<320000xf32, #tpu.memory_space<hbm>> -> memref<10000xf32, #tpu.memory_space<hbm>>
      %dma_start3A_172 = tpu.memref_slice %arg6[%mul3A_170] : memref<320000xf32, #tpu.memory_space<hbm>> -> memref<10000xf32, #tpu.memory_space<hbm>>
      tpu.enqueue_dma source(%arg11 : memref<10000xf32, #tpu.memory_space<vmem>>) target(%dma_start3A_172 : memref<10000xf32, #tpu.memory_space<hbm>>) target_semaphore(%run_scoped3A : memref<!tpu.dma_semaphore, #tpu.memory_space<semaphore_mem>>)
      %dma_wait3A_173 = tpu.memref_slice %arg6[%mul3A_170] : memref<320000xf32, #tpu.memory_space<hbm>> -> memref<10000xf32, #tpu.memory_space<hbm>>
      %dma_wait3A_174 = tpu.memref_slice %arg6[%mul3A_170] : memref<320000xf32, #tpu.memory_space<hbm>> -> memref<10000xf32, #tpu.memory_space<hbm>>
      tpu.wait_dma2 semaphore(%run_scoped3A : memref<!tpu.dma_semaphore, #tpu.memory_space<semaphore_mem>>) src(%arg11 : memref<10000xf32, #tpu.memory_space<vmem>>) dst(%dma_wait3A_174 : memref<10000xf32, #tpu.memory_space<hbm>>)
      tpu.yield
    }) : () -> ()
    return
  }
}

module attributes {stable_mosaic.version = 14 : i64} {
  func.func @_norms_tc(%arg0: memref<10000x128xf32, #tpu.memory_space<vmem>>, %arg1: memref<10000xf32, #tpu.memory_space<vmem>>) attributes {dimension_semantics = [], scalar_prefetch = 0 : i64, scratch_operands = 0 : i64, tpu.core_type = #tpu.core_type<tc>} {
    %get3A = arith.constant 0 : index
    %get3A_0 = arith.constant 0 : index
    %get3A_1 = vector.load %arg0[%get3A, %get3A_0] : memref<10000x128xf32, #tpu.memory_space<vmem>>, vector<10000x128xf32>
    %mul3A = arith.mulf %get3A_1, %get3A_1 : vector<10000x128xf32>
    %reduce_sum3A = arith.constant dense<0.000000e+00> : vector<10000xf32>
    %reduce_sum3A_2 = vector.multi_reduction <add>, %mul3A, %reduce_sum3A [1] : vector<10000x128xf32> to vector<10000xf32>
    %swap3A = arith.constant 0 : index
    %swap3A_3 = vector.load %arg1[%swap3A] : memref<10000xf32, #tpu.memory_space<vmem>>, vector<10000xf32>
    tpu.vector_store %arg1[%swap3A], %reduce_sum3A_2 {strides = array<i32>} : memref<10000xf32, #tpu.memory_space<vmem>>, vector<10000xf32>,
    return
  }
}

</mosaic_0001>

<sc_bundles>
// kernel: kernel.4.cloned.1.call-start
scs
__scs_entry_jumppad:
0x0: {  	(pc) =	sbr.rel $0x88, $3  }
0x1: {  	(tag) =	ssettag $0x0;
	lr =	simm.s32 $0x1  }
0x2: {  	[smem:$0x3F9F] =	sst lr;
	_ =	strace $0xD0000000  }
0x3: {  	_ = 	snop  }
0x4: {  	_ = 	snop  }
0x5: {  	_ = 	snop  }
0x6: {  	_ = 	snop  }
0x7: {  	_ = 	snop  }
__scs_overlays_trampoline_lowered:
0x8: {  	[smem:$0x3FAE] =	sst s0  }
0x9: {  	[smem:$0x3FAF] =	sst s1  }
0xa: {  	[smem:$0x3FB0] =	sst s2  }
0xb: {  	[smem:$0x3FB1] =	sst s3  }
0xc: {  	[smem:$0x3FB2] =	sst s4  }
0xd: {  	[smem:$0x3FB3] =	sst s5  }
0xe: {  	[smem:$0x3FB4] =	sst s6  }
0xf: {  	[smem:$0x3FB5] =	sst s7  }
0x10: {  	[smem:$0x3FB6] =	sst s8  }
0x11: {  	[smem:$0x3FB7] =	sst s9;
	s0 =	simm.s32 @!p0 $0x0  }
0x12: {  	s1 =	sld [smem:$0x3F9D];
	s0 =	simm.s32 @p0 $0x1  }
0x13: {  	[smem:$0x3FB8] =	sst s0;
	s0 =	simm.s32 @!p1 $0x0  }
0x14: {  	s2 =	sld [smem:$0x3F9C];
	s0 =	simm.s32 @p1 $0x1  }
0x15: {  	[smem:$0x3FB9] =	sst s0;
	s0 =	simm.s32 @!p2 $0x0  }
0x16: {  	s3 =	sld [smem:$0x3FDB];
	s0 =	simm.s32 @p2 $0x1  }
0x17: {  	s4 =	simm.s32 $0x1BF5;
	[smem:$0x3FBB] =	sst s0  }
0x18: {  	s0 =	sld [smem:$0x3F9E];
	_ =	swait.ge [sflag:s4], $0x0  }
0x19: {  	s7 =	sld [smem:$0x3F9F]  }
0x1a: {  	s8 =	sadd.s32 $0xFFFFE003, lr  }
0x1b: {  	s9 =	sadd.s32 $0xFFFFFEF7, lr;
	s5 =	simm.s32 $0xFFFFFFFF;
	p2 =	slt.u32 s8, $0xFFFFF086  }
0x1c: {  	p1 =	slt.u32 s9, $0xF7A;
	s5 =	simm.s32 @!p2 $0x0  }
0x1d: {  	s5 =	simm.s32 @p1 $0x1;
	p0 =	seq.s32 s7, s2  }
0x1e: {  	s7 =	smul.u32 @!p0 $0xF7A, s2;
	p2 =	seq.s32 @!p0 s5, $0x0  }
0x1f: {  	s9 =	smul.u32 $0xF7A, s1;
	s8 =	simm.s32 @!p0 $0x1BF5;
	p2 =	por !p2, p0  }
0x20: {  	[sflag:s8] =	ssyncset.s32 @!p0 $0xFFFFF086;
	s6 =	sadd.s32 @!p0 s3, s7;
	s7 =	simm.s32 @!p0 $0x108  }
0x21: {  	s3 =	sadd.s32 s3, s9;
	s6 =	sadd.s32 @!p0 $0x88, s6;
	s7 =	simm.s32 @p2 $0x1082  }
0x22: {  	[simem:s7], [sflag:s8] =	dma.local @!p0 [hbm:s6], $0xF7A  }
0x23: {  	s9 =	sor.u32 $0xD0000000, s2;
	s6 =	simm.s32 $0x108;
	_ =	swait.ge @!p0 [sflag:s8], $0x0  }
0x24: {  	s3 =	sadd.s32 $0x88, s3;
	s6 =	simm.s32 @!p1 $0x1082;
	[sflag:s4] =	ssyncset.s32 $0xFFFFF086  }
0x25: {  	[simem:s6], [sflag:s4] =	dma.local [hbm:s3], $0xF7A  }
0x26: {  	[smem:$0x3F9F] =	sst s1;
	(tag) =	ssettag s2;
	_ =	strace s9  }
0x27: {  	s1 =	sld [smem:$0x3FAF]  }
0x28: {  	s2 =	sld [smem:$0x3FB0]  }
0x29: {  	s4 =	sld [smem:$0x3FB2]  }
0x2a: {  	p0 =	seq.s32 s5, $0x0;
	s5 =	sld [smem:$0x3FB3]  }
0x2b: {  	s6 =	sld [smem:$0x3FB4]  }
0x2c: {  	s7 =	sld [smem:$0x3FB5]  }
0x2d: {  	s3 =	simm.s32 $0x108;
	s8 =	sld [smem:$0x3FB6]  }
0x2e: {  	s3 =	simm.s32 @!p0 $0x1082;
	s9 =	sld [smem:$0x3FB7]  }
0x2f: {  	lr =	sadd.s32 s0, s3;
	s0 =	sld [smem:$0x3FAE]  }
0x30: {  	s3 =	sld [smem:$0x3FB1]  }
0x31: {  	[smem:$0x3FBA] =	sst s10  }
0x32: {  	s10 =	sld [smem:$0x3FB8];
	_ =	sdelay $0x3  }
0x33: {  	p0 =	seq.s32 s10, $0x1;
	s10 =	sld [smem:$0x3FBA];
	_ =	sdelay $0x3  }
0x34: {  	[smem:$0x3FBA] =	sst s10  }
0x35: {  	s10 =	sld [smem:$0x3FB9];
	_ =	sdelay $0x3  }
0x36: {  	p1 =	seq.s32 s10, $0x1;
	s10 =	sld [smem:$0x3FBA];
	_ =	sdelay $0x3  }
0x37: {  	[smem:$0x3FBA] =	sst s10  }
0x38: {  	s10 =	sld [smem:$0x3FBB]  }
0x39: {  	_ = 	snop;
	(pc) =	sbr.ind lr, $3  }
0x3a: {  	_ = 	snop  }
0x3b: {  	_ = 	snop  }
0x3c: {  	p2 =	seq.s32 s10, $0x1;
	s10 =	sld [smem:$0x3FBA]  }
0x3d: {  	_ =	shalt  }
0x3e: {  	_ =	shalt  }
0x3f: {  	_ =	shalt  }
0x40: {  	_ =	shalt  }
0x41: {  	_ =	shalt  }
0x42: {  	_ =	shalt  }
0x43: {  	_ =	shalt  }
0x44: {  	_ =	shalt  }
0x45: {  	_ =	shalt  }
0x46: {  	_ =	shalt  }
0x47: {  	_ =	shalt  }
0x48: {  	_ =	shalt  }
0x49: {  	_ =	shalt  }
0x4a: {  	_ =	shalt  }
0x4b: {  	_ =	shalt  }
0x4c: {  	_ =	shalt  }
0x4d: {  	_ =	shalt  }
0x4e: {  	_ =	shalt  }
0x4f: {  	_ =	shalt  }
0x50: {  	_ =	shalt  }
0x51: {  	_ =	shalt  }
0x52: {  	_ =	shalt  }
0x53: {  	_ =	shalt  }
0x54: {  	_ =	shalt  }
0x55: {  	_ =	shalt  }
0x56: {  	_ =	shalt  }
0x57: {  	_ =	shalt  }
0x58: {  	_ =	shalt  }
0x59: {  	_ =	shalt  }
0x5a: {  	_ =	shalt  }
0x5b: {  	_ =	shalt  }
0x5c: {  	_ =	shalt  }
0x5d: {  	_ =	shalt  }
0x5e: {  	_ =	shalt  }
0x5f: {  	_ =	shalt  }
0x60: {  	_ =	shalt  }
0x61: {  	_ =	shalt  }
0x62: {  	_ =	shalt  }
0x63: {  	_ =	shalt  }
0x64: {  	_ =	shalt  }
0x65: {  	_ =	shalt  }
0x66: {  	_ =	shalt  }
0x67: {  	_ =	shalt  }
0x68: {  	_ =	shalt  }
0x69: {  	_ =	shalt  }
0x6a: {  	_ =	shalt  }
0x6b: {  	_ =	shalt  }
0x6c: {  	_ =	shalt  }
0x6d: {  	_ =	shalt  }
0x6e: {  	_ =	shalt  }
0x6f: {  	_ =	shalt  }
0x70: {  	_ =	shalt  }
0x71: {  	_ =	shalt  }
0x72: {  	_ =	shalt  }
0x73: {  	_ =	shalt  }
0x74: {  	_ =	shalt  }
0x75: {  	_ =	shalt  }
0x76: {  	_ =	shalt  }
0x77: {  	_ =	shalt  }
0x78: {  	_ =	shalt  }
0x79: {  	_ =	shalt  }
0x7a: {  	_ =	shalt  }
0x7b: {  	_ =	shalt  }
0x7c: {  	_ =	shalt  }
0x7d: {  	_ =	shalt  }
0x7e: {  	_ =	shalt  }
0x7f: {  	_ =	shalt  }
0x80: {  	_ =	shalt  }
0x81: {  	_ =	shalt  }
0x82: {  	_ =	shalt  }
0x83: {  	_ =	shalt  }
0x84: {  	_ =	shalt  }
0x85: {  	_ =	shalt  }
0x86: {  	_ =	shalt  }
0x87: {  	_ =	shalt  }
.Lfunc_end0:
.L_simem_size_0:
called_computation_lowered:
.L_overlay_start_0:
0x88: {  	s2 =	sld [smem:$0x3FD9]  }
0x89: {  	s3 =	sld [smem:$0x3FFE];
	_ =	sdelay $0x1  }
0x8a: {  	s1 =	srdreg.scid  }
0x8b: {  	s0 =	sand.u32 $0x1, s1  }
0x8c: {  	s17 =	sshll.u32 s0, $0xA;
	s2 =	sadd.s32 s3, s2  }
0x8d: {  	s2 =	sadd.s32 s2, s17  }
0x8e: {  	[smem:$0x3FC6] =	sst s2  }
0x8f: {  	_ = 	snop  }
0x90: {  	s2 =	sld [smem:$0x3FC9]  }
0x91: {  	s18 =	sld [smem:$0x3FD0];
	(tm) =	ssettm $0x1  }
0x92: {  	s4 =	sld [smem:$0x3FFB];
	_ =	sdelay $0x3  }
0x93: {  	_ =	strace s4  }
0x94: {  	s4 =	sld [smem:$0x3FFC];
	_ =	sdelay $0x3  }
0x95: {  	_ =	strace s4  }
0x96: {  	s4 =	sld [smem:$0x3FFD];
	_ =	sdelay $0x3  }
0x97: {  	_ =	strace s4  }
0x98: {  	_ =	strace $0x8FFFFFFF  }
0x99: {  	s19 =	sld [smem:$0x3FDB];
	_ =	sdelay $0x1  }
0x9a: {  	s5 =	simm.s32 $_scs_section_size  }
0x9b: {  	s6 =	simm.s32 $_size__tile_overlayer_lowered;
	s7 =	simm.s32 $_tile_overlayer_lowered  }
0x9c: {  	s22 =	simm.s32 $0x1BFF;
	s21 =	sshll.u32 s7, $0x1;
	s4 =	sadd.s32 s5, s19  }
0x9d: {  	s8 =	simm.s32 $0x0;
	s20 =	sshll.u32 s6, $0x1;
	s6 =	sadd.s32 s21, s4  }
0x9e: {  	[timem:s8], [sflag:s22] =	dma.local [hbm:s6], s20  }
0x9f: {  	_ =	swait.ge [sflag:s22], s20  }
0xa0: {  	s5 =	ssub.s32 $0x0, s20;
	[sflag:s22] =	ssyncset.done $0x0  }
0xa1: {  	[sflag:s22] =	ssyncadd.s32 s5;
	_ =	sdelay $0x1  }
0xa2: {  	s23 =	simm.s32 $0x1B8B  }
0xa3: {  	_ =	swait.ge [sflag:s23], $0x1  }
0xa4: {  	[sflag:s23] =	ssyncset.done $0x0  }
0xa5: {  	s25 =	simm.s32 $0x1B8E;
	s24 =	sld [smem:$0x3FFE];
	[sflag:s23] =	ssyncadd.s32 $0xFFFFFFFF  }
0xa6: {  	s26 =	simm.s32 $execute0_lowered;
	[smem:$0x3FD2] =	sst s25  }
0xa7: {  	s6 =	sshll.u32 s26, $0x1;
	_ =	strace $0x80000046;
	[dreg:$0x1] =	wrdreg $0xFFFFFFFF  }
0xa8: {  	s28 =	simm.s32 $_size_execute0_lowered;
	s4 =	sadd.s32 s4, s6;
	[dreg:$0x0] =	wrdreg $0x0  }
0xa9: {  	s6 =	sshll.u32 s28, $0x1;
	[dreg:$0x2] =	wrdreg s4  }
0xaa: {  	[dreg:$0x3] =	wrdreg s6  }
0xab: {  	[dreg:$0x4] =	wrdreg $0xC0  }
0xac: {  	_ =	task [dreg:s8], $0x5FFFF  }
0xad: {  	[dreg:$0x1] =	wrdreg $0xFFFFFFFF  }
0xae: {  	[dreg:$0x0] =	wrdreg $0x60  }
0xaf: {  	[dreg:$0x2] =	wrdreg s2  }
0xb0: {  	[dreg:$0x3] =	wrdreg s24  }
0xb1: {  	[dreg:$0x4] =	wrdreg s18  }
0xb2: {  	[dreg:$0x5] =	wrdreg $0x9  }
0xb3: {  	_ =	task.clear_ibuf [dreg:s8], $0x6FFFF;
	_ =	strace $0x90000046  }
0xb4: {  	s29 =	simm.s32 $0x9;
	_ =	strace $0x80000048  }
0xb5: {  	_ =	swait.ge [sflag:s29], $0x1  }
0xb6: {  	[sflag:s29] =	ssyncadd.s32 $0xFFFFFFFF  }
0xb7: {  	_ =	strace $0x90000048  }
0xb8: {  	_ =	sfence  }
0xb9: {  	s30 =	sld [smem:$0x0];
	_ =	sdelay $0x2  }
0xba: {  	s31 =	sshll.u32 s1, $0xD;
	s1 =	sshrl.u32 s1, $0x2  }
0xbb: {  	s3 =	sand.u32 $0x4000, s31;
	s1 =	sadd.s32 s1, s30  }
0xbc: {  	s0 =	sor.u32 s3, s0;
	s1 =	sshll.u32 s1, $0x11  }
0xbd: {  	s0 =	sor.u32 s1, s0  }
0xbe: {  	s0 =	sadd.s32 $0x8F2B, s0  }
0xbf: {  	[sflag:s0] =	ssyncadd.remote.s32 $0x1  }
0xc0: {  	_ =	sfence.sel $0xFFFF  }
0xc1: {  	[dreg:$0x0] =	wrdreg $0xFFFFFFFF;
	(pc) =	sbr.abs _section_cstart, $3  }
0xc2: {  	[dreg:$0x1] =	wrdreg $0xFFFFFFFF  }
0xc3: {  	_ =	task.clear_ibuf [dreg:s8], $0x2FFFF;
	_ =	strace $0x9FFFFFFF  }
0xc4: {  	(tm) =	ssettm $0x7FFFFFFF  }
0xc5: {  	_ =	shalt  }
tec
execute0_lowered:
.L_overlay_start_1:
0x0: {  	(tag) =	ssettag $0x1  }
0x1: {  	s1 =	rddreg [dreg:$0x0]  }
0x2: {  	s0 =	rddreg [dreg:$0x1]  }
0x3: {  	s2 =	rddreg [dreg:$0x2];
	s3 =	simm.s32 $0x0  }
0x4: {  	s4 =	srdreg.scid;
	s5 =	stileid.u32;
	s10 =	simm.s32 $0x4000  }
0x5: {  	s11 =	simm.s32 $0x17000;
	s12 =	simm.s32 $0x50;
	s13 =	simm.s32 $0x8000  }
0x6: {  	s15 =	simm.s32 $0xA800;
	s17 =	simm.s32 $0xD000;
	s18 =	simm.s32 $0x180  }
0x7: {  	s19 =	simm.s32 $0xF800;
	s20 =	simm.s32 $0x200;
	s21 =	simm.s32 $0x12000  }
0x8: {  	s22 =	simm.s32 $0x1;
	s23 =	simm.s32 $0x2;
	s24 =	simm.s32 $0x4080  }
0x9: {  	s25 =	simm.s32 $0x3;
	s26 =	simm.s32 $0x4100;
	s28 =	simm.s32 $0x19780  }
0xa: {  	[smem:$0x7FF] =	sst s3;
	s4 =	sand.u32 $0x1, s4;
	s5 =	sshll.u32 s5, $0x1  }
0xb: {  	s29 =	simm.s32 $0x0;
	_ =	strace $0x80000047;
	s5 =	sor.u32 s4, s5  }
0xc: {  	s6 =	ssub.s32 $0x2, s4;
	s4 =	sadd.s32 $0x200, s0;
	s30 =	sshll.u32 s5, $0xB  }
0xd: {  	s7 =	sshrl.u32 s6, $0x1;
	s8 =	smul.u32 $0x4E2, s5;
	s9 =	sadd.s32 s30, s0  }
0xe: {  	s31 =	ssub.s32 s6, s7;
	s5 =	sadd.s32 $0x10800, s9;
	s6 =	sadd.s32 $0x800, s9  }
0xf: {  	s7 =	sadd.s32 s2, s8;
	s8 =	smax.u32 s31, $0x1;
	s9 =	simm.s32 $0xD  }
.LBB2_1:
0x10: {  	[tilespmem:s3], [sflag:$0xD] =	stream.linear.gather [hbm4b:s5+s3], $0x3E80, $0x38;
	[tilespmem:$0x1BF00] =	vst v63  }
0x11: {  	_ =	swait.ge [sflag:s9], $0x3E80  }
0x12: {  	[sflag:s9] =	ssyncset.done $0x0  }
0x13: {  	[sflag:s9] =	ssyncadd.s32 $0xFFFFC180  }
0x14: {  	[tilespmem:s10], [sflag:$0xD] =	stream.linear.gather [hbm4b:s6+s3], $0x3E80, $0x38;
	[tilespmem:$0x1BF00] =	vst v63  }
0x15: {  	_ =	swait.ge [sflag:s9], $0x3E80  }
0x16: {  	[sflag:s9] =	ssyncset.done $0x0  }
0x17: {  	[sflag:s9] =	ssyncadd.s32 $0xFFFFC180  }
0x18: {  	[tilespmem:s11], [sflag:$0xD] =	stream.linear.gather [hbm4b:s4+s3], $0x2780, $0x38;
	[tilespmem:$0x1BF00] =	vst v63  }
0x19: {  	_ =	swait.ge [sflag:s9], $0x2780  }
0x1a: {  	[sflag:s9] =	ssyncset.done $0x0  }
0x1b: {  	[sflag:s9] =	ssyncadd.s32 $0xFFFFD880  }
0x1c: {  	[tilespmem:s13], [sflag:$0x1] =	stream.indirect.gather [hbm4b:s1+s12], $0x80, s3, s12, $0xb8;
	[tilespmem:$0x1BF00] =	vst v63  }
0x1d: {  	s0 =	simm.s32 $0x80  }
0x1e: {  	[tilespmem:s15], [sflag:$0x2] =	stream.indirect.gather [hbm4b:s1+s12], $0x80, s0, s12, $0xb8;
	[tilespmem:$0x1BF00] =	vst v63  }
0x1f: {  	s31 =	simm.s32 $0x100  }
0x20: {  	[tilespmem:s17], [sflag:$0x3] =	stream.indirect.gather [hbm4b:s1+s12], $0x80, s31, s12, $0xb8;
	[tilespmem:$0x1BF00] =	vst v63  }
0x21: {  	_ = 	snop  }
0x22: {  	[tilespmem:s19], [sflag:$0x4] =	stream.indirect.gather [hbm4b:s1+s12], $0x80, s18, s12, $0xb8;
	[tilespmem:$0x1BF00] =	vst v63  }
0x23: {  	_ = 	snop  }
0x24: {  	[tilespmem:s21], [sflag:$0x5] =	stream.indirect.gather [hbm4b:s1+s12], $0x80, s20, s12, $0xb8;
	[tilespmem:$0x1BF00] =	vst v63  }
0x25: {  	_ =	swait.ge [sflag:s22], $0x2800  }
0x26: {  	[sflag:s22] =	ssyncset.done $0x0  }
0x27: {  	[sflag:s22] =	ssyncadd.s32 $0xFFFFD800  }
0x28: {  	[tilespmem:s13], [sflag:$0x7] =	stream.indirect.gather.add.f32 [hbm:s1], $0x80, s10, s12, $0xb8;
	[tilespmem:$0x1BF00] =	vst v63  }
0x29: {  	_ =	swait.ge [sflag:s23], $0x2800  }
0x2a: {  	[sflag:s23] =	ssyncset.done $0x0  }
0x2b: {  	[sflag:s23] =	ssyncadd.s32 $0xFFFFD800  }
0x2c: {  	[tilespmem:s15], [sflag:$0x8] =	stream.indirect.gather.add.f32 [hbm:s1], $0x80, s24, s12, $0xb8;
	[tilespmem:$0x1BF00] =	vst v63  }
0x2d: {  	_ =	swait.ge [sflag:s25], $0x2800  }
0x2e: {  	[sflag:s25] =	ssyncset.done $0x0  }
0x2f: {  	s30 =	simm.s32 $0x0;
	[sflag:s25] =	ssyncadd.s32 $0xFFFFD800  }
0x30: {  	[tilespmem:s17], [sflag:$0x9] =	stream.indirect.gather.add.f32 [hbm:s1], $0x80, s26, s12, $0xb8;
	[tilespmem:$0x1BF00] =	vst v63  }
.LBB2_2:
0x31: {  	p0 =	sgt.u32 s30, $0x77  }
.Ltmp0:
0x32: {  	_ = 	snop;
	(pc) =	sbr.rel @p0 .LBB2_4-.Ltmp0, $1  }
0x33: {  	_ =	sdelay $0x3  }
0x34: {  	s0 =	sadd.s32 $0x5, s30  }
0x35: {  	s2 =	smul.u32 $0xAB, s0;
	_ =	sdelay $0x1  }
0x36: {  	s2 =	sshrl.u32 s2, $0xA  }
0x37: {  	s2 =	sand.u32 $0x3F, s2  }
0x38: {  	s2 =	smul.u32 $0x6, s2;
	_ =	sdelay $0x1  }
0x39: {  	s2 =	ssub.s32 s0, s2  }
0x3a: {  	s2 =	sand.u32 $0xFF, s2  }
0x3b: {  	s14 =	smul.u32 $0xA000, s2  }
.Ltmp1:
0x3c: {  	_ = 	snop;
	(pc) =	sbr.rel .LBB2_5-.Ltmp1, $4  }
0x3d: {  	_ = 	snop  }
0x3e: {  	s0 =	sshll.u32 s0, $0x7;
	s14 =	sshrl.u32 s14, $0x2  }
0x3f: {  	s0 =	sand.u32 $0x3FFFFF80, s0;
	s2 =	sadd.s32 $0x1, s2;
	s14 =	sadd.s32 $0x8000, s14  }
0x40: {  	[tilespmem:s14], [sflag:s2] =	stream.indirect.gather [hbm4b:s1+s12], $0x80, s0, s12, $0xb8;
	[tilespmem:$0x1BF00] =	vst v63  }
.LBB2_4:
0x41: {  	p0 =	sgt.u32 s30, $0x79  }
.Ltmp2:
0x42: {  	_ = 	snop;
	(pc) =	sbr.rel @p0 .LBB2_6-.Ltmp2, $1  }
0x43: {  	_ =	sdelay $0x3  }
.LBB2_5:
0x44: {  	s0 =	sadd.s32 $0x3, s30  }
0x45: {  	s2 =	smul.u32 $0xAB, s0;
	_ =	sdelay $0x1  }
0x46: {  	s2 =	sshrl.u32 s2, $0xA  }
0x47: {  	s2 =	sand.u32 $0x3F, s2  }
0x48: {  	s2 =	smul.u32 $0x6, s2;
	_ =	sdelay $0x1  }
0x49: {  	s2 =	ssub.s32 s0, s2  }
0x4a: {  	s2 =	sand.u32 $0xFF, s2  }
0x4b: {  	s0 =	sshll.u32 s0, $0x7;
	s14 =	sadd.s32 $0x1, s2;
	s31 =	smul.u32 $0xA000, s2  }
0x4c: {  	s0 =	sand.u32 $0x3FFFFF80, s0;
	_ =	swait.ge [sflag:s14], $0x2800  }
0x4d: {  	s0 =	sadd.s32 $0x4000, s0;
	[sflag:s14] =	ssyncset.done $0x0;
	s31 =	sshrl.u32 s31, $0x2  }
0x4e: {  	s2 =	sadd.s32 $0x7, s2;
	[sflag:s14] =	ssyncadd.s32 $0xFFFFD800;
	s14 =	sadd.s32 $0x8000, s31  }
0x4f: {  	[tilespmem:s14], [sflag:s2] =	stream.indirect.gather.add.f32 [hbm:s1], $0x80, s0, s12, $0xb8;
	[tilespmem:$0x1BF00] =	vst v63  }
.LBB2_6:
0x50: {  	s0 =	smul.u32 $0xAB, s30;
	_ =	sdelay $0x1  }
0x51: {  	s0 =	sshrl.u32 s0, $0xA  }
0x52: {  	s0 =	sand.u32 $0x3F, s0  }
0x53: {  	s0 =	smul.u32 $0x6, s0;
	_ =	sdelay $0x1  }
0x54: {  	s0 =	ssub.s32 s30, s0  }
0x55: {  	s14 =	smul.u32 $0x140, s30;
	s0 =	sand.u32 $0xFF, s0  }
0x56: {  	s2 =	sadd.s32 $0x7, s0;
	s0 =	smul.u32 $0xA000, s0  }
0x57: {  	s16 =	sshll.u32 s30, $0x7;
	s14 =	sshra.s32 s14, $0x2;
	_ =	swait.ge [sflag:s2], $0x2800  }
0x58: {  	s14 =	sadd.s32 $0x19780, s14;
	[sflag:s2] =	ssyncset.done $0x0;
	s0 =	sshrl.u32 s0, $0x2  }
0x59: {  	v0 =	vmov s16;
	v1 =	vmov s14;
	[sflag:s2] =	ssyncadd.s32 $0xFFFFD800;
	s31 =	sadd.s32 $0x8000, s0;
	s0 =	simm.s32 $0x0  }
.LBB2_7:
0x5a: {  	s2 =	sshll.u32 s0, $0x4;
	v12 =	vlaneseq.u32  }
0x5b: {  	v8 =	vimm.f32 $0.0e+00;
	v2 =	vmov s2;
	v3 =	vmul.u32 $0x80, v12  }
0x5c: {  	v13 =	vadd.s32 $0x1, v12;
	v16 =	vadd.s32 $0x2, v12;
	v14 =	vadd.s32 $0x3, v12  }
0x5d: {  	v17 =	vadd.s32 $0x4, v12;
	v7 =	vadd.s32 $0x5, v12;
	v9 =	vadd.s32 $0x6, v12  }
0x5e: {  	v6 =	vadd.s32 $0x7, v12;
	v38 =	vadd.s32 $0x8, v12;
	v2 =	vshll.u32 v2, $0x7  }
0x5f: {  	v4 =	vadd.s32 $0x10, v13;
	v5 =	vadd.s32 $0x18, v6;
	v11 =	vadd.s32 $0x18, v13  }
0x60: {  	v21 =	vadd.s32 $0x18, v9;
	v22 =	vadd.s32 $0x20, v7;
	v23 =	vadd.s32 $0x20, v17  }
0x61: {  	v24 =	vadd.s32 $0x20, v9;
	v25 =	vadd.s32 $0x8, v6;
	v26 =	vadd.s32 $0x10, v7  }
0x62: {  	v28 =	vadd.s32 $0x10, v9;
	v29 =	vadd.s32 $0x10, v6;
	v32 =	vadd.s32 $0x8, v7  }
0x63: {  	v36 =	vadd.s32 $0x8, v14;
	v38 =	vand.u32 $0x7F, v38;
	v63 =	vadd.s32 $0x10, v14  }
0x64: {  	v47 =	vadd.s32 $0x20, v13;
	v2 =	vor.u32 v3, v2;
	v3 =	vand.u32 $0x7F, v4  }
0x65: {  	v4 =	vadd.s32 $0x10, v12;
	v11 =	vand.u32 $0x7F, v11;
	v21 =	vand.u32 $0x7F, v21  }
0x66: {  	v29 =	vand.u32 $0x7F, v29;
	v25 =	vand.u32 $0x7F, v25;
	v36 =	vand.u32 $0x7F, v36  }
0x67: {  	v28 =	vand.u32 $0x7F, v28;
	v3 =	vor.u32 v2, v3;
	v4 =	vand.u32 $0x7F, v4  }
0x68: {  	v20 =	vor.u32 v2, v11;
	v11 =	vadd.s32 $0x20, v6;
	v30 =	vor.u32 v2, v6  }
0x69: {  	v31 =	vor.u32 v2, v7;
	v33 =	vor.u32 v2, v9;
	v34 =	vor.u32 v2, v14  }
0x6a: {  	v37 =	vor.u32 v2, v17;
	v39 =	vor.u32 v2, v16;
	v29 =	vor.u32 v2, v29  }
0x6b: {  	v40 =	vor.u32 v2, v13;
	v45 =	vor.u32 v2, v36;
	v28 =	vor.u32 v2, v28  }
0x6c: {  	v61 =	vor.u32 v2, v25;
	v10 =	vor.u32 v2, v4;
	v4 =	vand.u32 $0x7F, v5  }
0x6d: {  	v5 =	vadd.s32 $0x18, v16;
	v15 =	vor.u32 v2, v4;
	v4 =	vadd.s32 $0x18, v12;
	v3 =	vld.idx.msk [tilespmem:v3+s31+$0x0], $0xffff  }
0x6e: {  	v62 =	vor.u32 v2, v21;
	v5 =	vand.u32 $0x7F, v5;
	v4 =	vand.u32 $0x7F, v4;
	v30 =	vld.idx.msk [tilespmem:v30+s31+$0x0], $0xffff  }
0x6f: {  	v18 =	vor.u32 v2, v5;
	v5 =	vadd.s32 $0x18, v17;
	v19 =	vor.u32 v2, v4;
	v31 =	vld.idx.msk [tilespmem:v31+s31+$0x0], $0xffff  }
0x70: {  	v4 =	vadd.s32 $0x20, v16;
	v27 =	vand.u32 $0x7F, v5;
	v5 =	vand.u32 $0x7F, v24;
	v33 =	vld.idx.msk [tilespmem:v33+s31+$0x0], $0xffff  }
0x71: {  	v24 =	vadd.s32 $0x8, v9;
	v9 =	vand.u32 $0x7F, v26;
	v4 =	vand.u32 $0x7F, v4;
	v60 =	vld.idx.msk [tilespmem:v37+s31+$0x0], $0xffff  }
0x72: {  	v6 =	vor.u32 v2, v27;
	v27 =	vadd.s32 $0x8, v17;
	v35 =	vor.u32 v2, v9;
	v20 =	vld.idx.msk [tilespmem:v20+s31+$0x0], $0xffff  }
0x73: {  	v17 =	vadd.s32 $0x10, v17;
	v9 =	vld.idx.msk [tilespmem:v10+s31+$0x0], $0xffff;
	v10 =	vadd.s32 $0x8, v16;
	v16 =	vadd.s32 $0x10, v16  }
0x74: {  	v17 =	vand.u32 $0x7F, v17;
	v41 =	vand.u32 $0x7F, v10;
	v42 =	vld.idx.msk [tilespmem:v15+s31+$0x0], $0xffff;
	v15 =	vand.u32 $0x7F, v27  }
0x75: {  	v16 =	vand.u32 $0x7F, v16;
	v26 =	vld.idx.msk [tilespmem:v18+s31+$0x0], $0xffff;
	v18 =	vadd.s32 $0x8, v13;
	v27 =	vor.u32 v2, v41  }
0x76: {  	v21 =	vld.idx.msk [tilespmem:v34+s31+$0x0], $0xffff;
	v44 =	vor.u32 v2, v15;
	v15 =	vadd.s32 $0x18, v7;
	v7 =	vand.u32 $0x7F, v22  }
0x77: {  	v45 =	vld.idx.msk [tilespmem:v45+s31+$0x0], $0xffff;
	v41 =	vor.u32 v2, v38;
	v38 =	vor.u32 v2, v17;
	v13 =	vadd.s32 $0x20, v12  }
0x78: {  	v17 =	vimm.f32 $0.0e+00;
	v43 =	vld.idx.msk [tilespmem:v19+s31+$0x0], $0xffff;
	v19 =	vand.u32 $0x7F, v24;
	v24 =	vand.u32 $0x7F, v32  }
0x79: {  	v22 =	vld.idx.msk [tilespmem:v40+s31+$0x0], $0xffff;
	v18 =	vand.u32 $0x7F, v18;
	v25 =	vmul.f32 v31, v31;
	v31 =	vor.u32 v2, v24  }
0x7a: {  	v32 =	vld.idx.msk [tilespmem:v29+s31+$0x0], $0xffff;
	v29 =	vand.u32 $0x7F, v15;
	v15 =	vand.u32 $0x7F, v23;
	v3 =	vmul.f32 v3, v3  }
0x7b: {  	v18 =	vor.u32 v2, v18;
	v46 =	vld.idx.msk [tilespmem:v35+s31+$0x0], $0xffff;
	v23 =	vmul.f32 v60, v60;
	v35 =	vor.u32 v2, v29  }
0x7c: {  	v29 =	vld.idx.msk [tilespmem:v28+s31+$0x0], $0xffff;
	v49 =	vor.u32 v2, v19;
	v19 =	vmul.f32 v20, v20;
	v10 =	vmul.f32 v26, v26  }
0x7d: {  	v28 =	vld.idx.msk [tilespmem:v62+s31+$0x0], $0xffff;
	v20 =	vand.u32 $0x7F, v63;
	v26 =	vmul.f32 v30, v30;
	v30 =	vmul.f32 v33, v33  }
0x7e: {  	v36 =	vmul.f32 v21, v21;
	v40 =	vor.u32 v2, v20;
	v21 =	vadd.f32 v25, v8;
	v48 =	vld.idx.msk [tilespmem:v31+s31+$0x0], $0xffff  }
0x7f: {  	v34 =	vld.idx.msk [tilespmem:v27+s31+$0x0], $0xffff;
	v24 =	vadd.f32 v26, v8;
	v26 =	vadd.f32 v30, v8;
	v30 =	vor.u32 v2, v12  }
0x80: {  	v25 =	vmul.f32 v42, v42;
	v33 =	vadd.s32 $0x20, v14;
	v27 =	vld.idx.msk [tilespmem:v61+s31+$0x0], $0xffff;
	v20 =	vmul.f32 v22, v22  }
0x81: {  	v37 =	vld.idx.msk [tilespmem:v44+s31+$0x0], $0xffff;
	v44 =	vor.u32 v2, v16;
	v16 =	vadd.s32 $0x18, v14;
	v22 =	vimm.f32 $0.0e+00  }
0x82: {  	v31 =	vadd.f32 v23, v8;
	v23 =	vmul.f32 v43, v43;
	v42 =	vmul.f32 v46, v46;
	v43 =	vld.idx.msk [tilespmem:v39+s31+$0x0], $0xffff  }
0x83: {  	s14 =	simm.s32 $0x0;
	v29 =	vmul.f32 v29, v29;
	v39 =	vld.idx.msk [tilespmem:v49+s31+$0x0], $0xffff;
	v12 =	vimm.f32 $0.0e+00;
	v46 =	vmul.f32 v48, v48  }
.LBB2_8:
0x84: {  	s14 =	sadd.s32 $0x4, s14;
	v48 =	vld.idx.msk [tilespmem:v30+s31+$0x0], $0xffff;
	v8 =	vadd.f32 v20, v8;
	v13 =	vand.u32 $0x7F, v13;
	v14 =	vand.u32 $0x7F, v47;
	v20 =	vmovc v4;
	v30 =	vmovc v5  }
0x85: {  	v32 =	vmul.f32 v32, v32;
	v47 =	vadd.s32 $0x10, v13;
	p0 =	slt.u32 s14, $0xC;
	v46 =	vadd.f32 v46, v21;
	v35 =	vld.idx.msk [tilespmem:v35+s31+$0x0], $0xffff;
	v21 =	vmovc v15  }
0x86: {  	v22 =	vadd.f32 v36, v22;
	v36 =	vld.idx.msk [tilespmem:v41+s31+$0x0], $0xffff;
	v41 =	vand.u32 $0x7F, v16;
	v16 =	vand.u32 $0x7F, v33  }
0x87: {  	v34 =	vmul.f32 v34, v34;
	v33 =	vmul.f32 v43, v43;
	v40 =	vld.idx.msk [tilespmem:v40+s31+$0x0], $0xffff;
	v42 =	vadd.f32 v42, v46  }
0x88: {  	v43 =	vand.u32 $0x7F, v47;
	v46 =	vadd.s32 $0x10, v14;
	v41 =	vor.u32 v2, v41;
	v44 =	vld.idx.msk [tilespmem:v44+s31+$0x0], $0xffff  }
0x89: {  	v37 =	vmul.f32 v37, v37;
	v17 =	vadd.f32 v33, v17;
	v33 =	vmul.f32 v45, v45;
	v38 =	vld.idx.msk [tilespmem:v38+s31+$0x0], $0xffff  }
0x8a: {  	v27 =	vmul.f32 v27, v27;
	v43 =	vor.u32 v2, v43;
	v45 =	vand.u32 $0x7F, v11;
	v18 =	vld.idx.msk [tilespmem:v18+s31+$0x0], $0xffff  }
0x8b: {  	v11 =	vadd.f32 v33, v22;
	v22 =	vmul.f32 v39, v39;
	v33 =	vmul.f32 v35, v35  }
0x8c: {  	v31 =	vadd.f32 v37, v31;
	v17 =	vadd.f32 v34, v17;
	v35 =	vmul.f32 v36, v36  }
0x8d: {  	v24 =	vadd.f32 v27, v24;
	v34 =	vadd.s32 $0x18, v45;
	v27 =	vadd.f32 v33, v42  }
0x8e: {  	v22 =	vadd.f32 v22, v26;
	v33 =	vmul.f32 v40, v40;
	v26 =	vmul.f32 v44, v44;
	v36 =	vld.idx.msk [tilespmem:v41+s31+$0x0], $0xffff  }
0x8f: {  	v28 =	vmul.f32 v28, v28;
	v37 =	vmul.f32 v48, v48;
	v34 =	vand.u32 $0x7F, v34  }
0x90: {  	v9 =	vmul.f32 v9, v9;
	v18 =	vmul.f32 v18, v18;
	v17 =	vadd.f32 v26, v17;
	v6 =	vld.idx.msk [tilespmem:v6+s31+$0x0], $0xffff  }
0x91: {  	v12 =	vadd.f32 v37, v12;
	v22 =	vadd.f32 v29, v22;
	v26 =	vadd.s32 $0x18, v4  }
0x92: {  	v29 =	vand.u32 $0x7F, v46;
	v11 =	vadd.f32 v33, v11;
	v8 =	vadd.f32 v18, v8  }
0x93: {  	v24 =	vadd.f32 v32, v24;
	v12 =	vadd.f32 v35, v12;
	v18 =	vor.u32 v2, v29  }
0x94: {  	v29 =	vmul.f32 v38, v38;
	v17 =	vadd.f32 v10, v17;
	v10 =	vmul.f32 v36, v36  }
0x95: {  	v24 =	vadd.f32 v25, v24;
	v32 =	vor.u32 v2, v34;
	v28 =	vadd.f32 v28, v22  }
0x96: {  	v9 =	vadd.f32 v9, v12;
	v3 =	vadd.f32 v3, v8;
	v6 =	vmul.f32 v6, v6  }
0x97: {  	v25 =	vadd.s32 $0x18, v13;
	v29 =	vadd.f32 v29, v31;
	v22 =	vadd.f32 v10, v11  }
0x98: {  	v12 =	vadd.f32 v23, v9;
	v11 =	vadd.s32 $0x18, v14;
	v8 =	vadd.f32 v19, v3;
	v10 =	vld.idx.msk [tilespmem:v18+s31+$0x0], $0xffff  }
0x99: {  	v3 =	vand.u32 $0x7F, v25;
	v9 =	vand.u32 $0x7F, v11;
	v19 =	vadd.f32 v6, v29  }
0x9a: {  	v23 =	vor.u32 v2, v3;
	v6 =	vand.u32 $0x7F, v26;
	v25 =	vor.u32 v2, v9  }
0x9b: {  	v6 =	vor.u32 v2, v6  }
0x9c: {  	v3 =	vadd.s32 $0x20, v4;
	v9 =	vadd.s32 $0x18, v5;
	v26 =	vadd.s32 $0x20, v7  }
0x9d: {  	v4 =	vand.u32 $0x7F, v3;
	v29 =	vadd.s32 $0x20, v15;
	v18 =	vadd.s32 $0x18, v15  }
0x9e: {  	v11 =	vadd.s32 $0x20, v45;
	v5 =	vadd.s32 $0x20, v5;
	v3 =	vmul.f32 v10, v10  }
0x9f: {  	v31 =	vadd.s32 $0x10, v7;
	v18 =	vand.u32 $0x7F, v18;
	v10 =	vadd.s32 $0x8, v45  }
0xa0: {  	v34 =	vadd.s32 $0x10, v45;
	v33 =	vadd.s32 $0x10, v30;
	v5 =	vand.u32 $0x7F, v5;
	v35 =	vld.idx.msk [tilespmem:v6+s31+$0x0], $0xffff  }
0xa1: {  	v37 =	vor.u32 v2, v45;
	v36 =	vadd.s32 $0x8, v30;
	v6 =	vor.u32 v2, v18  }
0xa2: {  	v38 =	vadd.s32 $0x8, v15;
	v39 =	vand.u32 $0x7F, v9;
	v18 =	vor.u32 v2, v7  }
0xa3: {  	v40 =	vadd.s32 $0x8, v7;
	v30 =	vor.u32 v2, v30;
	v9 =	vand.u32 $0x7F, v31  }
0xa4: {  	v41 =	vor.u32 v2, v16;
	v31 =	vadd.s32 $0x8, v14;
	v42 =	vor.u32 v2, v9  }
0xa5: {  	v44 =	vadd.s32 $0x8, v16;
	v34 =	vand.u32 $0x7F, v34;
	v15 =	vor.u32 v2, v15;
	v9 =	vld.idx.msk [tilespmem:v43+s31+$0x0], $0xffff  }
0xa6: {  	v34 =	vor.u32 v2, v34;
	v45 =	vadd.s32 $0x8, v20;
	v43 =	vor.u32 v2, v20;
	v37 =	vld.idx.msk [tilespmem:v37+s31+$0x0], $0xffff  }
0xa7: {  	v47 =	vor.u32 v2, v14;
	v46 =	vadd.s32 $0x8, v13;
	v49 =	vand.u32 $0x7F, v10;
	v48 =	vld.idx.msk [tilespmem:v18+s31+$0x0], $0xffff  }
0xa8: {  	v33 =	vand.u32 $0x7F, v33;
	v10 =	vand.u32 $0x7F, v31;
	v31 =	vand.u32 $0x7F, v44;
	v30 =	vld.idx.msk [tilespmem:v30+s31+$0x0], $0xffff  }
0xa9: {  	v44 =	vand.u32 $0x7F, v45;
	v18 =	vor.u32 v2, v10;
	v10 =	vmul.f32 v35, v35;
	v45 =	vld.idx.msk [tilespmem:v32+s31+$0x0], $0xffff  }
0xaa: {  	v46 =	vand.u32 $0x7F, v46;
	v50 =	vor.u32 v2, v31;
	v31 =	vor.u32 v2, v33;
	v23 =	vld.idx.msk [tilespmem:v23+s31+$0x0], $0xffff  }
0xab: {  	v44 =	vor.u32 v2, v44;
	v35 =	vld.idx.msk [tilespmem:v15+s31+$0x0], $0xffff;
	v15 =	vand.u32 $0x7F, v38;
	v38 =	vand.u32 $0x7F, v36  }
0xac: {  	v32 =	vand.u32 $0x7F, v40;
	v33 =	vmul.f32 v37, v37;
	v37 =	vor.u32 v2, v49;
	v25 =	vld.idx.msk [tilespmem:v25+s31+$0x0], $0xffff  }
0xad: {  	v39 =	vor.u32 v2, v39;
	v40 =	vmul.f32 v48, v48;
	v36 =	vld.idx.msk [tilespmem:v41+s31+$0x0], $0xffff;
	v41 =	vor.u32 v2, v32  }
0xae: {  	v48 =	vor.u32 v2, v15;
	v30 =	vmul.f32 v30, v30;
	v24 =	vadd.f32 v33, v24;
	v32 =	vld.idx.msk [tilespmem:v34+s31+$0x0], $0xffff  }
0xaf: {  	v15 =	vadd.s32 $0x18, v7;
	v7 =	vand.u32 $0x7F, v26;
	v33 =	vadd.s32 $0x20, v16;
	v47 =	vld.idx.msk [tilespmem:v47+s31+$0x0], $0xffff  }
0xb0: {  	v26 =	vadd.f32 v30, v28;
	v28 =	vand.u32 $0x7F, v15;
	v15 =	vand.u32 $0x7F, v29;
	v42 =	vld.idx.msk [tilespmem:v42+s31+$0x0], $0xffff  }
0xb1: {  	v30 =	vor.u32 v2, v13;
	v29 =	vmul.f32 v35, v35;
	v35 =	vor.u32 v2, v28;
	v49 =	vld.idx.msk [tilespmem:v31+s31+$0x0], $0xffff  }
0xb2: {  	v52 =	vadd.s32 $0x10, v21;
	v51 =	vadd.s32 $0x10, v16;
	v20 =	vadd.s32 $0x10, v20;
	v53 =	vld.idx.msk [tilespmem:v41+s31+$0x0], $0xffff  }
0xb3: {  	v54 =	vor.u32 v2, v38;
	v36 =	vmul.f32 v36, v36;
	v34 =	vld.idx.msk [tilespmem:v44+s31+$0x0], $0xffff;
	v44 =	vand.u32 $0x7F, v20  }
0xb4: {  	v21 =	vadd.f32 v40, v27;
	v31 =	vadd.f32 v29, v19;
	v19 =	vmul.f32 v25, v25;
	v28 =	vld.idx.msk [tilespmem:v39+s31+$0x0], $0xffff  }
.Ltmp3:
0xb5: {  	v41 =	vor.u32 v2, v46;
	v25 =	vmul.f32 v45, v45;
	v20 =	vand.u32 $0x7F, v51;
	v27 =	vld.idx.msk [tilespmem:v37+s31+$0x0], $0xffff;
	(pc) =	sbr.rel @p0 .LBB2_8-.Ltmp3, $4  }
0xb6: {  	v23 =	vmul.f32 v23, v23;
	v29 =	vand.u32 $0x7F, v52;
	v40 =	vor.u32 v2, v20;
	v37 =	vld.idx.msk [tilespmem:v48+s31+$0x0], $0xffff  }
0xb7: {  	v38 =	vor.u32 v2, v29;
	v42 =	vmul.f32 v42, v42;
	v29 =	vmul.f32 v49, v49;
	v43 =	vld.idx.msk [tilespmem:v43+s31+$0x0], $0xffff  }
0xb8: {  	v20 =	vmul.f32 v47, v47;
	v44 =	vor.u32 v2, v44;
	v47 =	vadd.s32 $0x20, v14;
	v39 =	vld.idx.msk [tilespmem:v54+s31+$0x0], $0xffff  }
0xb9: {  	v16 =	vadd.s32 $0x18, v16;
	v13 =	vadd.s32 $0x20, v13;
	v46 =	vmul.f32 v53, v53;
	v45 =	vld.idx.msk [tilespmem:v50+s31+$0x0], $0xffff  }
0xba: {  	_ =	sdelay $0x3  }
0xbb: {  	v4 =	vld.idx.msk [tilespmem:v30+s31+$0x0], $0xffff  }
0xbc: {  	v5 =	vld.idx.msk [tilespmem:v35+s31+$0x0], $0xffff  }
0xbd: {  	v7 =	vadd.f32 v20, v8;
	v11 =	vld.idx.msk [tilespmem:v41+s31+$0x0], $0xffff;
	v13 =	vand.u32 $0x7F, v16;
	v14 =	vmul.f32 v32, v32  }
0xbe: {  	v47 =	vld.idx.msk [tilespmem:v40+s31+$0x0], $0xffff;
	v27 =	vmul.f32 v27, v27;
	v55 =	vmul.f32 v28, v28;
	v35 =	vadd.f32 v46, v21  }
0xbf: {  	v18 =	vld.idx.msk [tilespmem:v18+s31+$0x0], $0xffff;
	v2 =	vor.u32 v2, v13;
	v46 =	vmul.f32 v34, v34;
	v15 =	vmul.f32 v43, v43  }
0xc0: {  	v49 =	vmul.f32 v37, v37;
	v43 =	vld.idx.msk [tilespmem:v44+s31+$0x0], $0xffff;
	v44 =	vadd.f32 v36, v22;
	v52 =	vadd.f32 v27, v24  }
0xc1: {  	v51 =	vld.idx.msk [tilespmem:v38+s31+$0x0], $0xffff;
	v8 =	vadd.f32 v42, v35;
	v50 =	vmul.f32 v39, v39;
	v15 =	vadd.f32 v15, v17  }
0xc2: {  	v48 =	vmul.f32 v45, v45;
	v17 =	vadd.f32 v49, v31;
	v57 =	vadd.f32 v14, v52  }
0xc3: {  	v6 =	vld.idx.msk [tilespmem:v6+s31+$0x0], $0xffff;
	v5 =	vmul.f32 v5, v5;
	v11 =	vmul.f32 v11, v11;
	v53 =	vadd.f32 v50, v26  }
0xc4: {  	v54 =	vld.idx.msk [tilespmem:v0+s2+$0x0 ss:$0x1], $0xffff;
	v4 =	vmul.f32 v4, v4;
	v21 =	vmul.f32 v47, v47;
	v13 =	vadd.f32 v48, v44  }
0xc5: {  	v56 =	vld.idx.msk [tilespmem:v0+s2+$0x4000 ss:$0x1], $0xffff;
	v18 =	vmul.f32 v18, v18;
	v15 =	vadd.f32 v46, v15;
	v60 =	vadd.f32 v25, v57  }
0xc6: {  	v58 =	vmul.f32 v51, v51;
	v2 =	vld.idx.msk [tilespmem:v2+s31+$0x0], $0xffff;
	v5 =	vadd.f32 v5, v8;
	v4 =	vadd.f32 v4, v12  }
0xc7: {  	v16 =	vmul.f32 v43, v43;
	v8 =	vadd.f32 v29, v53;
	v7 =	vadd.f32 v18, v7  }
0xc8: {  	v9 =	vmul.f32 v9, v9;
	v59 =	vadd.f32 v58, v17;
	v13 =	vadd.f32 v21, v13  }
0xc9: {  	v6 =	vmul.f32 v6, v6;
	v15 =	vadd.f32 v16, v15;
	v4 =	vadd.f32 v11, v4  }
0xca: {  	v8 =	vadd.f32 v55, v8;
	v3 =	vadd.f32 v3, v7  }
0xcb: {  	v6 =	vadd.f32 v6, v59;
	v2 =	vmul.f32 v2, v2;
	v4 =	vadd.f32 v9, v4  }
0xcc: {  	v10 =	vadd.f32 v10, v15;
	v3 =	vadd.f32 v19, v3  }
0xcd: {  	v61 =	vld.idx.msk [tilespmem:v54+s11+$0x0], $0xffff;
	v2 =	vadd.f32 v2, v13;
	v4 =	vadd.f32 v23, v4  }
0xce: {  	v62 =	vld.idx.msk [tilespmem:v56+s11+$0x0], $0xffff;
	v5 =	vadd.f32 v5, v6;
	v63 =	vadd.f32 v60, v8  }
0xcf: {  	v3 =	vadd.f32 v3, v4;
	v2 =	vadd.f32 v2, v10;
	_ =	sdelay $0x1  }
0xd0: {  	v2 =	vadd.f32 v2, v3;
	v3 =	vadd.f32 v63, v5;
	_ =	sdelay $0x1  }
0xd1: {  	v2 =	vadd.f32 v3, v2;
	v3 =	vadd.f32 v62, v61;
	_ =	sdelay $0x1  }
0xd2: {  	v2 =	vsub.f32 v2, v3;
	_ =	sdelay $0x1  }
0xd3: {  	v2 =	vmul.f32 $-5.000000000e-01, v2;
	_ =	sdelay $0x1  }
0xd4: {  	v2 =	vadd.f32 $0.0e+00, v2;
	_ =	sdelay $0x1  }
0xd5: {  	v2 =	vmul.f32 $1.442695020e+00, v2;
	_ =	sdelay $0x1  }
0xd6: {  	(erf) = vpow2.f32 v2;
	_ =	sdelay $0x8  }
0xd7: {  	v2 =	vpop (erf)  }
0xd8: {  	v2 =	vadd.f32 $1.000000000e+00, v2;
	_ =	sdelay $0x1  }
0xd9: {  	(erf) = vrcp.f32 v2;
	_ =	sdelay $0x3  }
0xda: {  	s0 =	sadd.s32 $0x1, s0  }
0xdb: {  	p0 =	sne.s32 s0, $0x5  }
.Ltmp4:
0xdc: {  	_ = 	snop;
	(pc) =	sbr.rel @p0 .LBB2_7-.Ltmp4, $3  }
0xdd: {  	_ =	sdelay $0x1  }
0xde: {  	v2 =	vpop (erf)  }
0xdf: {  	[tilespmem:v1+s2+$0x0 ss:$0x1] =	vst.idx.msk $0xffff, v2  }
0xe0: {  	s30 =	sadd.s32 $0x1, s30  }
0xe1: {  	p0 =	sne.s32 s30, $0x7D  }
.Ltmp5:
0xe2: {  	_ = 	snop;
	(pc) =	sbr.rel @p0 .LBB2_2-.Ltmp5, $1  }
0xe3: {  	_ =	sdelay $0x3  }
0xe4: {  	s29 =	sadd.s32 $0x1, s29  }
0xe5: {  	p0 =	sne.s32 s29, s8  }
.Ltmp6:
0xe6: {  	_ = 	snop;
	(pc) =	sbr.rel @p0 .LBB2_1-.Ltmp6, $4  }
0xe7: {  	[hbm4b:s7+s3] =	stream.linear.scatter [tilespmem:s28], [sflag:$0xD], $0x2710, $0x38;
	[tilespmem:$0x1BF00] =	vst v63  }
0xe8: {  	_ =	swait.ge [sflag:s9], $0x2710  }
0xe9: {  	[sflag:s9] =	ssyncset.done $0x0  }
0xea: {  	[sflag:s9] =	ssyncadd.s32 $0xFFFFD8F0  }
0xeb: {  	_ =	sfence.sel $0x180000  }
0xec: {  	[bflag:$0x0] =	sbarrier.arrive $0xFFFF  }
0xed: {  	_ =	strace $0x90000047  }
0xee: {  	s0 =	stileid.u32;
	[bflag:$0x2] =	sbarrier.arrive $0xFFFF  }
0xef: {  	p0 =	sne.s32 s0, $0x0;
	s0 =	rddreg [dreg:$0x3]  }
0xf0: {  	s0 =	sadd.s32 @!p0 $0x100000, s0  }
0xf1: {  	[sflag:s0] =	ssyncadd.tile.s32 @!p0 $0x1;
	_ =	shalt  }
.Lfunc_end2:
_tile_overlayer_lowered:
.L_overlay_start_2:
0xf2: {  	(tag) =	ssettag $0x2  }
0xf3: {  	s0 =	rddreg [dreg:$0x0];
	s2 =	stileid.u32  }
0xf4: {  	s1 =	rddreg [dreg:$0x1];
	p0 =	sne.s32 s2, $0x0  }
0xf5: {  	s3 =	rddreg [dreg:$0x2];
	[bflag:$0x3] =	sbarrier.arrive $0xFFFF;
	s2 =	simm.s32 @!p0 $0x1C0D  }
0xf6: {  	[timem:s3], [sflag:s2] =	dma.local @!p0 [hbm:s0], s1  }
0xf7: {  	s0 =	simm.s32 @!p0 $0xD  }
0xf8: {  	_ =	swait.ge @!p0 [sflag:s0], s1  }
0xf9: {  	s1 =	ssub.s32 @!p0 $0x0, s1;
	[sflag:s0] =	ssyncset.done @!p0 $0x0  }
0xfa: {  	[sflag:s0] =	ssyncadd.s32 @!p0 s1  }
0xfb: {  	[bflag:$0x3] =	sbarrier.arrive $0xFFFF  }
0xfc: {  	_ =	shalt  }

</sc_bundles>
